<compile_context>
chip_gen: v7x
topology: tpu7x:2x2x1
jax: 0.10.2.dev20260603
libtpu: 0.0.44.dev20260713+nightly
codegen_flags: <defaults>
</compile_context>

<pallas_src>
import functools

import jax
import jax.numpy as jnp
from jax import lax
from jax.experimental import pallas as pl
from jax.experimental.pallas import tpu as pltpu
from jax.experimental.pallas import tpu_sc as plsc

EPS = 1e-05
_EPS = 1e-10
MAX_NORM = 1000.0

_IDX_CHUNK = 128
_BW = 8


@functools.lru_cache(maxsize=None)
def _make_sc_gather(B, D, NC, NS):
    NW = NC * NS
    BPW = B // NW
    NCH = BPW // _IDX_CHUNK
    mesh = plsc.VectorSubcoreMesh(core_axis_name="c", subcore_axis_name="s")
    f32 = jnp.float32

    @functools.partial(
        pl.kernel,
        mesh=mesh,
        compiler_params=pltpu.CompilerParams(use_tc_tiling_on_sc=False),
        out_type=[
            jax.ShapeDtypeStruct((B, D), f32),
            jax.ShapeDtypeStruct((B, D), f32),
            jax.ShapeDtypeStruct((B, D), f32),
            jax.ShapeDtypeStruct((B, _BW), f32),
        ],
        scratch_types=[
            pltpu.VMEM((BPW,), jnp.int32),
            pltpu.VMEM((BPW,), jnp.int32),
            pltpu.VMEM((BPW,), jnp.int32),
            pltpu.VMEM((BPW,), jnp.int32),
            pltpu.VMEM((BPW, D), f32),
            pltpu.VMEM((BPW, D), f32),
            pltpu.VMEM((BPW, D), f32),
            pltpu.VMEM((BPW, _BW), f32),
            pltpu.SemaphoreType.DMA,
        ],
    )
    def sc_gather(uid, lid, pid, pwid, utab, itab, btab,
                  u_out, l_out, p_out, b_out,
                  uidx, lidx, pidx, widx, urows, lrows, prows, brows, sem):
        wid = lax.axis_index("s") * NC + lax.axis_index("c")
        base = wid * BPW
        pltpu.sync_copy(uid.at[pl.ds(base, BPW)], uidx)
        pltpu.sync_copy(lid.at[pl.ds(base, BPW)], lidx)
        pltpu.sync_copy(pid.at[pl.ds(base, BPW)], pidx)
        pltpu.sync_copy(pwid.at[pl.ds(base, BPW)], widx)
        copies = []
        for j in range(NCH):
            sl = pl.ds(j * _IDX_CHUNK, _IDX_CHUNK)
            copies.append(pltpu.async_copy(utab.at[uidx.at[sl]], urows.at[sl], sem))
            copies.append(pltpu.async_copy(itab.at[lidx.at[sl]], lrows.at[sl], sem))
            copies.append(pltpu.async_copy(itab.at[pidx.at[sl]], prows.at[sl], sem))
            copies.append(pltpu.async_copy(btab.at[widx.at[sl]], brows.at[sl], sem))
        for c in copies:
            c.wait()
        pltpu.sync_copy(urows, u_out.at[pl.ds(base, BPW)])
        pltpu.sync_copy(lrows, l_out.at[pl.ds(base, BPW)])
        pltpu.sync_copy(prows, p_out.at[pl.ds(base, BPW)])
        pltpu.sync_copy(brows, b_out.at[pl.ds(base, BPW)])

    return sc_gather


def _exp_map_tail(v):
    v0 = v[:, :1]
    vr = v[:, 1:]
    ldv = -v0 * v0 + jnp.sum(vr * vr, axis=1, keepdims=True)
    nd = jnp.sqrt(jnp.clip(ldv + EPS, _EPS, None))
    t = jnp.minimum(nd, MAX_NORM)
    e = jnp.exp(t)
    sinh_t = 0.5 * (e - 1.0 / e)
    nr = (sinh_t / nd) * vr
    norms = jnp.sqrt(jnp.sum(nr * nr, axis=1, keepdims=True))
    factor = jnp.where(norms > MAX_NORM, MAX_NORM / jnp.maximum(norms, 1e-12), 1.0)
    nr = nr * factor
    first = jnp.sqrt(1.0 + jnp.sum(nr * nr, axis=1, keepdims=True))
    return first, nr


def _tc_math_body(u_ref, l_ref, p_ref, bw_ref, pm_ref, g_ref, o_ref):
    v = u_ref[...] + g_ref[...] + l_ref[...]
    a0, ar = _exp_map_tail(v)
    c0, cr = _exp_map_tail(p_ref[...])
    s = -a0 * c0 + jnp.sum(ar * cr, axis=1, keepdims=True)
    t2 = -s
    dist = jnp.log(t2 + jnp.sqrt(jnp.clip(t2 * t2 - 1.0, _EPS, None)))
    lanes = lax.broadcasted_iota(jnp.int32, bw_ref.shape, 1)
    b = jnp.sum(jnp.where(lanes == pm_ref[...], bw_ref[...], 0.0), axis=1,
                keepdims=True)
    o_ref[...] = -dist + b


def _tc_math(u, l, p, bw, pm, g, block):
    B, D = u.shape
    grid = (B // block,)
    spec_rows = pl.BlockSpec((block, D), lambda i: (i, 0))
    out = pl.pallas_call(
        _tc_math_body,
        grid=grid,
        in_specs=[
            spec_rows,
            spec_rows,
            spec_rows,
            pl.BlockSpec((block, _BW), lambda i: (i, 0)),
            pl.BlockSpec((block, 1), lambda i: (i, 0)),
            pl.BlockSpec((1, D), lambda i: (0, 0)),
        ],
        out_specs=pl.BlockSpec((block, 1), lambda i: (i, 0)),
        out_shape=jax.ShapeDtypeStruct((B, 1), jnp.float32),
    )(u, l, p, bw, pm, g)
    return out


def kernel(user_ids, last_items, pre_items, user_table, item_table,
           global_transition, item_biases):
    B = user_ids.shape[0]
    D = user_table.shape[1]
    V = item_biases.shape[0]
    info = plsc.get_sparse_core_info()
    sc_gather = _make_sc_gather(B, D, info.num_cores, info.num_subcores)
    pid = pre_items.astype(jnp.int32)
    u, l, p, bw = sc_gather(
        user_ids.astype(jnp.int32),
        last_items.astype(jnp.int32),
        pid,
        pid // _BW,
        user_table, item_table, item_biases.reshape(V // _BW, _BW))
    out = _tc_math(u, l, p, bw, (pid % _BW).reshape(B, 1), global_transition,
                   block=2048)
    return out.reshape(B)

# --- scband reference (transcript-rebuilt; emitter-appended) ---
"""Pipeline reference for scband-htrans-rec-l-25305947308178 (READ-ONLY COPY).

The authoritative reference and input builder live on the scoring server;
editing this copy changes nothing except your own understanding.
"""

import jax, jax.numpy as jnp
import numpy as np

EPS = 1e-05
_EPS = 1e-10
MAX_NORM = 1000.0

def cosh_neg_power(t):
    return jnp.log(t + jnp.sqrt(jnp.clip(t * t - 1.0, 1e-10, None)))

def ldot(u, v, keepdim=False):
    uv = u * v
    s = -uv[:, :1] + jnp.sum(uv[:, 1:], axis=1, keepdims=True)
    return s if keepdim else s[:, 0]

def normalize(w):
    narrowed = w[:, 1:]
    norms = jnp.linalg.norm(narrowed, axis=1, keepdims=True)
    factor = jnp.where(norms > MAX_NORM, MAX_NORM / jnp.maximum(norms, 1e-12), 1.0)
    narrowed = narrowed * factor
    first = jnp.sqrt(1.0 + jnp.sum(narrowed ** 2, axis=1, keepdims=True))
    return jnp.concatenate([first, narrowed], axis=1)

def exp_map_zero(v):
    p = jnp.zeros_like(v).at[:, 0].set(1.0)
    ldv = ldot(v, v, keepdim=True)
    nd_p = jnp.sqrt(jnp.clip(ldv + EPS, _EPS, None))
    t = jnp.clip(nd_p, None, MAX_NORM)
    newp = jnp.cosh(t) * p + jnp.sinh(t) * v / nd_p
    return normalize(newp)

def log_map_zero(y):
    x = jnp.zeros_like(y).at[:, 0].set(1.0)
    xy = ldot(x, y, keepdim=True)
    tmp = jnp.sqrt(jnp.clip(xy * xy - 1.0 + EPS, _EPS, None))
    return cosh_neg_power(-xy) / tmp * (y + xy * x)

def hyper_distance(u, v):
    uv = u * v
    s = -uv[:, 0] + jnp.sum(uv[:, 1:], axis=1)
    return cosh_neg_power(-s)

def setup_inputs(seed: int = 0) -> dict:
    key = jax.random.key(seed)
    ks = jax.random.split(key, 7)
    B = 16384
    NUM_USERS = 1000000
    NUM_ITEMS = 1000000
    D = 32
    return {
        'user_ids': jax.random.randint(ks[0], (B,), 0, NUM_USERS),
        'last_items': jax.random.randint(ks[1], (B,), 0, NUM_ITEMS),
        'pre_items': jax.random.randint(ks[2], (B,), 0, NUM_ITEMS),
        'user_table': jax.random.normal(ks[3], (NUM_USERS, D), jnp.float32) * 0.1,
        'item_table': jax.random.normal(ks[4], (NUM_ITEMS, D), jnp.float32) * 0.1,
        'global_transition': jax.random.normal(ks[5], (1, D), jnp.float32) * 0.1,
        'item_biases': jax.random.normal(ks[6], (NUM_ITEMS, 1), jnp.float32) * 0.01,
    }

def reference(user_ids, last_items, pre_items, user_table, item_table, global_transition, item_biases):
    user_embs = jnp.take(user_table, user_ids, axis=0)
    last_item_embs = jnp.take(item_table, last_items, axis=0)
    pre_item_embs = jnp.take(item_table, pre_items, axis=0)
    pre_item_bias = jnp.take(item_biases, pre_items, axis=0)
    transed_emb = user_embs + global_transition + last_item_embs
    transed_emb = exp_map_zero(transed_emb)
    pre_item_h = exp_map_zero(pre_item_embs)
    hat_y = -hyper_distance(transed_emb, pre_item_h) + jnp.squeeze(pre_item_bias)
    _ = log_map_zero(transed_emb)
    _ = log_map_zero(pre_item_h)
    return hat_y

if __name__ == "__main__":
    import jax
    _d = setup_inputs()
    print(jax.jit(kernel)(*tuple(_d.values())))

</pallas_src>

<mosaic_0001>
#map = affine_map<(d0, d1) -> (0)>
#map1 = affine_map<(d0, d1) -> (0, 0)>
module attributes {stable_mosaic.version = 14 : i64} {
  func.func @sc_gather(%arg0: i32, %arg1: i32, %arg2: memref<16384xi32, #tpu.memory_space<hbm>>, %arg3: memref<16384xi32, #tpu.memory_space<hbm>>, %arg4: memref<16384xi32, #tpu.memory_space<hbm>>, %arg5: memref<16384xi32, #tpu.memory_space<hbm>>, %arg6: memref<1000000x32xf32, #tpu.memory_space<hbm>>, %arg7: memref<1000000x32xf32, #tpu.memory_space<hbm>>, %arg8: memref<125000x8xf32, #tpu.memory_space<hbm>>, %arg9: memref<16384x32xf32, #tpu.memory_space<hbm>>, %arg10: memref<16384x32xf32, #tpu.memory_space<hbm>>, %arg11: memref<16384x32xf32, #tpu.memory_space<hbm>>, %arg12: memref<16384x8xf32, #tpu.memory_space<hbm>>, %arg13: memref<512xi32, #tpu.memory_space<vmem>>, %arg14: memref<512xi32, #tpu.memory_space<vmem>>, %arg15: memref<512xi32, #tpu.memory_space<vmem>>, %arg16: memref<512xi32, #tpu.memory_space<vmem>>, %arg17: memref<512x32xf32, #tpu.memory_space<vmem>>, %arg18: memref<512x32xf32, #tpu.memory_space<vmem>>, %arg19: memref<512x32xf32, #tpu.memory_space<vmem>>, %arg20: memref<512x8xf32, #tpu.memory_space<vmem>>, %arg21: memref<!tpu.dma_semaphore, #tpu.memory_space<semaphore_mem>>) attributes {dimension_semantics = [#tpu.dimension_semantics<core_parallel>, #tpu.dimension_semantics<subcore_parallel>], iteration_bounds = array<i64: 2, 16>, scalar_prefetch = 0 : i64, scratch_operands = 9 : i64, tpu.core_type = #tpu.core_type<sc_vector_subcore>, window_params = [{transform_indices = #map}, {transform_indices = #map}, {transform_indices = #map}, {transform_indices = #map}, {transform_indices = #map1}, {transform_indices = #map1}, {transform_indices = #map1}, {transform_indices = #map1}, {transform_indices = #map1}, {transform_indices = #map1}, {transform_indices = #map1}]} {
    %mul3A = arith.constant 2 : i32
    %mul3A_0 = arith.muli %arg1, %mul3A : i32
    %add3A = arith.addi %mul3A_0, %arg0 : i32
    %mul3A_1 = arith.constant 512 : i32
    %mul3A_2 = arith.muli %add3A, %mul3A_1 : i32
    "tpu.region"() ({
      %run_scoped3A = tpu.sem_alloc : memref<!tpu.dma_semaphore, #tpu.memory_space<semaphore_mem>>
      %dma_start3A_257 = tpu.memref_slice %arg2[%mul3A_2] : memref<16384xi32, #tpu.memory_space<hbm>> -> memref<512xi32, #tpu.memory_space<hbm>>
      %dma_start3A_258 = tpu.memref_slice %arg2[%mul3A_2] : memref<16384xi32, #tpu.memory_space<hbm>> -> memref<512xi32, #tpu.memory_space<hbm>>
      tpu.enqueue_dma source(%dma_start3A_258 : memref<512xi32, #tpu.memory_space<hbm>>) target(%arg13 : memref<512xi32, #tpu.memory_space<vmem>>) target_semaphore(%run_scoped3A : memref<!tpu.dma_semaphore, #tpu.memory_space<semaphore_mem>>)
      %dma_wait3A_259 = tpu.memref_slice %arg2[%mul3A_2] : memref<16384xi32, #tpu.memory_space<hbm>> -> memref<512xi32, #tpu.memory_space<hbm>>
      %dma_wait3A_260 = tpu.memref_slice %arg2[%mul3A_2] : memref<16384xi32, #tpu.memory_space<hbm>> -> memref<512xi32, #tpu.memory_space<hbm>>
      tpu.wait_dma2 semaphore(%run_scoped3A : memref<!tpu.dma_semaphore, #tpu.memory_space<semaphore_mem>>) src(%dma_wait3A_260 : memref<512xi32, #tpu.memory_space<hbm>>) dst(%arg13 : memref<512xi32, #tpu.memory_space<vmem>>)
      tpu.yield
    }) : () -> ()
    "tpu.region"() ({
      %run_scoped3A = tpu.sem_alloc : memref<!tpu.dma_semaphore, #tpu.memory_space<semaphore_mem>>
      %dma_start3A_257 = tpu.memref_slice %arg3[%mul3A_2] : memref<16384xi32, #tpu.memory_space<hbm>> -> memref<512xi32, #tpu.memory_space<hbm>>
      %dma_start3A_258 = tpu.memref_slice %arg3[%mul3A_2] : memref<16384xi32, #tpu.memory_space<hbm>> -> memref<512xi32, #tpu.memory_space<hbm>>
      tpu.enqueue_dma source(%dma_start3A_258 : memref<512xi32, #tpu.memory_space<hbm>>) target(%arg14 : memref<512xi32, #tpu.memory_space<vmem>>) target_semaphore(%run_scoped3A : memref<!tpu.dma_semaphore, #tpu.memory_space<semaphore_mem>>)
      %dma_wait3A_259 = tpu.memref_slice %arg3[%mul3A_2] : memref<16384xi32, #tpu.memory_space<hbm>> -> memref<512xi32, #tpu.memory_space<hbm>>
      %dma_wait3A_260 = tpu.memref_slice %arg3[%mul3A_2] : memref<16384xi32, #tpu.memory_space<hbm>> -> memref<512xi32, #tpu.memory_space<hbm>>
      tpu.wait_dma2 semaphore(%run_scoped3A : memref<!tpu.dma_semaphore, #tpu.memory_space<semaphore_mem>>) src(%dma_wait3A_260 : memref<512xi32, #tpu.memory_space<hbm>>) dst(%arg14 : memref<512xi32, #tpu.memory_space<vmem>>)
      tpu.yield
    }) : () -> ()
    "tpu.region"() ({
      %run_scoped3A = tpu.sem_alloc : memref<!tpu.dma_semaphore, #tpu.memory_space<semaphore_mem>>
      %dma_start3A_257 = tpu.memref_slice %arg4[%mul3A_2] : memref<16384xi32, #tpu.memory_space<hbm>> -> memref<512xi32, #tpu.memory_space<hbm>>
      %dma_start3A_258 = tpu.memref_slice %arg4[%mul3A_2] : memref<16384xi32, #tpu.memory_space<hbm>> -> memref<512xi32, #tpu.memory_space<hbm>>
      tpu.enqueue_dma source(%dma_start3A_258 : memref<512xi32, #tpu.memory_space<hbm>>) target(%arg15 : memref<512xi32, #tpu.memory_space<vmem>>) target_semaphore(%run_scoped3A : memref<!tpu.dma_semaphore, #tpu.memory_space<semaphore_mem>>)
      %dma_wait3A_259 = tpu.memref_slice %arg4[%mul3A_2] : memref<16384xi32, #tpu.memory_space<hbm>> -> memref<512xi32, #tpu.memory_space<hbm>>
      %dma_wait3A_260 = tpu.memref_slice %arg4[%mul3A_2] : memref<16384xi32, #tpu.memory_space<hbm>> -> memref<512xi32, #tpu.memory_space<hbm>>
      tpu.wait_dma2 semaphore(%run_scoped3A : memref<!tpu.dma_semaphore, #tpu.memory_space<semaphore_mem>>) src(%dma_wait3A_260 : memref<512xi32, #tpu.memory_space<hbm>>) dst(%arg15 : memref<512xi32, #tpu.memory_space<vmem>>)
      tpu.yield
    }) : () -> ()
    "tpu.region"() ({
      %run_scoped3A = tpu.sem_alloc : memref<!tpu.dma_semaphore, #tpu.memory_space<semaphore_mem>>
      %dma_start3A_257 = tpu.memref_slice %arg5[%mul3A_2] : memref<16384xi32, #tpu.memory_space<hbm>> -> memref<512xi32, #tpu.memory_space<hbm>>
      %dma_start3A_258 = tpu.memref_slice %arg5[%mul3A_2] : memref<16384xi32, #tpu.memory_space<hbm>> -> memref<512xi32, #tpu.memory_space<hbm>>
      tpu.enqueue_dma source(%dma_start3A_258 : memref<512xi32, #tpu.memory_space<hbm>>) target(%arg16 : memref<512xi32, #tpu.memory_space<vmem>>) target_semaphore(%run_scoped3A : memref<!tpu.dma_semaphore, #tpu.memory_space<semaphore_mem>>)
      %dma_wait3A_259 = tpu.memref_slice %arg5[%mul3A_2] : memref<16384xi32, #tpu.memory_space<hbm>> -> memref<512xi32, #tpu.memory_space<hbm>>
      %dma_wait3A_260 = tpu.memref_slice %arg5[%mul3A_2] : memref<16384xi32, #tpu.memory_space<hbm>> -> memref<512xi32, #tpu.memory_space<hbm>>
      tpu.wait_dma2 semaphore(%run_scoped3A : memref<!tpu.dma_semaphore, #tpu.memory_space<semaphore_mem>>) src(%dma_wait3A_260 : memref<512xi32, #tpu.memory_space<hbm>>) dst(%arg16 : memref<512xi32, #tpu.memory_space<vmem>>)
      tpu.yield
    }) : () -> ()
    %dma_start3A = arith.constant 0 : i32
    %dma_start3A_3 = arith.constant 0 : i32
    %dma_start3A_4 = tpu.memref_slice %arg17[%dma_start3A, %dma_start3A_3] : memref<512x32xf32, #tpu.memory_space<vmem>> -> memref<128x32xf32, #tpu.memory_space<vmem>>
    %dma_start3A_5 = arith.constant 0 : i32
    %dma_start3A_6 = tpu.memref_slice %arg13[%dma_start3A_5] : memref<512xi32, #tpu.memory_space<vmem>> -> memref<128xi32, #tpu.memory_space<vmem>>
    %dma_start3A_7 = arith.constant 0 : i32
    %dma_start3A_8 = arith.constant 0 : i32
    %dma_start3A_9 = tpu.memref_slice %arg6[%dma_start3A_7, %dma_start3A_8] : memref<1000000x32xf32, #tpu.memory_space<hbm>> -> memref<1000000x32xf32, #tpu.memory_space<hbm>>
    tpu.enqueue_indirect_dma source(%dma_start3A_9 : memref<1000000x32xf32, #tpu.memory_space<hbm>>) target(%dma_start3A_4 : memref<128x32xf32, #tpu.memory_space<vmem>>) offsets(%dma_start3A_6 : memref<128xi32, #tpu.memory_space<vmem>>) semaphore(%arg21 : memref<!tpu.dma_semaphore, #tpu.memory_space<semaphore_mem>>)
    %dma_start3A_10 = arith.constant 0 : i32
    %dma_start3A_11 = arith.constant 0 : i32
    %dma_start3A_12 = tpu.memref_slice %arg18[%dma_start3A_10, %dma_start3A_11] : memref<512x32xf32, #tpu.memory_space<vmem>> -> memref<128x32xf32, #tpu.memory_space<vmem>>
    %dma_start3A_13 = arith.constant 0 : i32
    %dma_start3A_14 = tpu.memref_slice %arg14[%dma_start3A_13] : memref<512xi32, #tpu.memory_space<vmem>> -> memref<128xi32, #tpu.memory_space<vmem>>
    %dma_start3A_15 = arith.constant 0 : i32
    %dma_start3A_16 = arith.constant 0 : i32
    %dma_start3A_17 = tpu.memref_slice %arg7[%dma_start3A_15, %dma_start3A_16] : memref<1000000x32xf32, #tpu.memory_space<hbm>> -> memref<1000000x32xf32, #tpu.memory_space<hbm>>
    tpu.enqueue_indirect_dma source(%dma_start3A_17 : memref<1000000x32xf32, #tpu.memory_space<hbm>>) target(%dma_start3A_12 : memref<128x32xf32, #tpu.memory_space<vmem>>) offsets(%dma_start3A_14 : memref<128xi32, #tpu.memory_space<vmem>>) semaphore(%arg21 : memref<!tpu.dma_semaphore, #tpu.memory_space<semaphore_mem>>)
    %dma_start3A_18 = arith.constant 0 : i32
    %dma_start3A_19 = arith.constant 0 : i32
    %dma_start3A_20 = tpu.memref_slice %arg19[%dma_start3A_18, %dma_start3A_19] : memref<512x32xf32, #tpu.memory_space<vmem>> -> memref<128x32xf32, #tpu.memory_space<vmem>>
    %dma_start3A_21 = arith.constant 0 : i32
    %dma_start3A_22 = tpu.memref_slice %arg15[%dma_start3A_21] : memref<512xi32, #tpu.memory_space<vmem>> -> memref<128xi32, #tpu.memory_space<vmem>>
    %dma_start3A_23 = arith.constant 0 : i32
    %dma_start3A_24 = arith.constant 0 : i32
    %dma_start3A_25 = tpu.memref_slice %arg7[%dma_start3A_23, %dma_start3A_24] : memref<1000000x32xf32, #tpu.memory_space<hbm>> -> memref<1000000x32xf32, #tpu.memory_space<hbm>>
    tpu.enqueue_indirect_dma source(%dma_start3A_25 : memref<1000000x32xf32, #tpu.memory_space<hbm>>) target(%dma_start3A_20 : memref<128x32xf32, #tpu.memory_space<vmem>>) offsets(%dma_start3A_22 : memref<128xi32, #tpu.memory_space<vmem>>) semaphore(%arg21 : memref<!tpu.dma_semaphore, #tpu.memory_space<semaphore_mem>>)
    %dma_start3A_26 = arith.constant 0 : i32
    %dma_start3A_27 = arith.constant 0 : i32
    %dma_start3A_28 = tpu.memref_slice %arg20[%dma_start3A_26, %dma_start3A_27] : memref<512x8xf32, #tpu.memory_space<vmem>> -> memref<128x8xf32, #tpu.memory_space<vmem>>
    %dma_start3A_29 = arith.constant 0 : i32
    %dma_start3A_30 = tpu.memref_slice %arg16[%dma_start3A_29] : memref<512xi32, #tpu.memory_space<vmem>> -> memref<128xi32, #tpu.memory_space<vmem>>
    %dma_start3A_31 = arith.constant 0 : i32
    %dma_start3A_32 = arith.constant 0 : i32
    %dma_start3A_33 = tpu.memref_slice %arg8[%dma_start3A_31, %dma_start3A_32] : memref<125000x8xf32, #tpu.memory_space<hbm>> -> memref<125000x8xf32, #tpu.memory_space<hbm>>
    tpu.enqueue_indirect_dma source(%dma_start3A_33 : memref<125000x8xf32, #tpu.memory_space<hbm>>) target(%dma_start3A_28 : memref<128x8xf32, #tpu.memory_space<vmem>>) offsets(%dma_start3A_30 : memref<128xi32, #tpu.memory_space<vmem>>) semaphore(%arg21 : memref<!tpu.dma_semaphore, #tpu.memory_space<semaphore_mem>>)
    %dma_start3A_34 = arith.constant 128 : i32
    %dma_start3A_35 = arith.constant 0 : i32
    %dma_start3A_36 = tpu.memref_slice %arg17[%dma_start3A_34, %dma_start3A_35] : memref<512x32xf32, #tpu.memory_space<vmem>> -> memref<128x32xf32, #tpu.memory_space<vmem>>
    %dma_start3A_37 = arith.constant 128 : i32
    %dma_start3A_38 = tpu.memref_slice %arg13[%dma_start3A_37] : memref<512xi32, #tpu.memory_space<vmem>> -> memref<128xi32, #tpu.memory_space<vmem>>
    %dma_start3A_39 = arith.constant 0 : i32
    %dma_start3A_40 = arith.constant 0 : i32
    %dma_start3A_41 = tpu.memref_slice %arg6[%dma_start3A_39, %dma_start3A_40] : memref<1000000x32xf32, #tpu.memory_space<hbm>> -> memref<1000000x32xf32, #tpu.memory_space<hbm>>
    tpu.enqueue_indirect_dma source(%dma_start3A_41 : memref<1000000x32xf32, #tpu.memory_space<hbm>>) target(%dma_start3A_36 : memref<128x32xf32, #tpu.memory_space<vmem>>) offsets(%dma_start3A_38 : memref<128xi32, #tpu.memory_space<vmem>>) semaphore(%arg21 : memref<!tpu.dma_semaphore, #tpu.memory_space<semaphore_mem>>)
    %dma_start3A_42 = arith.constant 128 : i32
    %dma_start3A_43 = arith.constant 0 : i32
    %dma_start3A_44 = tpu.memref_slice %arg18[%dma_start3A_42, %dma_start3A_43] : memref<512x32xf32, #tpu.memory_space<vmem>> -> memref<128x32xf32, #tpu.memory_space<vmem>>
    %dma_start3A_45 = arith.constant 128 : i32
    %dma_start3A_46 = tpu.memref_slice %arg14[%dma_start3A_45] : memref<512xi32, #tpu.memory_space<vmem>> -> memref<128xi32, #tpu.memory_space<vmem>>
    %dma_start3A_47 = arith.constant 0 : i32
    %dma_start3A_48 = arith.constant 0 : i32
    %dma_start3A_49 = tpu.memref_slice %arg7[%dma_start3A_47, %dma_start3A_48] : memref<1000000x32xf32, #tpu.memory_space<hbm>> -> memref<1000000x32xf32, #tpu.memory_space<hbm>>
    tpu.enqueue_indirect_dma source(%dma_start3A_49 : memref<1000000x32xf32, #tpu.memory_space<hbm>>) target(%dma_start3A_44 : memref<128x32xf32, #tpu.memory_space<vmem>>) offsets(%dma_start3A_46 : memref<128xi32, #tpu.memory_space<vmem>>) semaphore(%arg21 : memref<!tpu.dma_semaphore, #tpu.memory_space<semaphore_mem>>)
    %dma_start3A_50 = arith.constant 128 : i32
    %dma_start3A_51 = arith.constant 0 : i32
    %dma_start3A_52 = tpu.memref_slice %arg19[%dma_start3A_50, %dma_start3A_51] : memref<512x32xf32, #tpu.memory_space<vmem>> -> memref<128x32xf32, #tpu.memory_space<vmem>>
    %dma_start3A_53 = arith.constant 128 : i32
    %dma_start3A_54 = tpu.memref_slice %arg15[%dma_start3A_53] : memref<512xi32, #tpu.memory_space<vmem>> -> memref<128xi32, #tpu.memory_space<vmem>>
    %dma_start3A_55 = arith.constant 0 : i32
    %dma_start3A_56 = arith.constant 0 : i32
    %dma_start3A_57 = tpu.memref_slice %arg7[%dma_start3A_55, %dma_start3A_56] : memref<1000000x32xf32, #tpu.memory_space<hbm>> -> memref<1000000x32xf32, #tpu.memory_space<hbm>>
    tpu.enqueue_indirect_dma source(%dma_start3A_57 : memref<1000000x32xf32, #tpu.memory_space<hbm>>) target(%dma_start3A_52 : memref<128x32xf32, #tpu.memory_space<vmem>>) offsets(%dma_start3A_54 : memref<128xi32, #tpu.memory_space<vmem>>) semaphore(%arg21 : memref<!tpu.dma_semaphore, #tpu.memory_space<semaphore_mem>>)
    %dma_start3A_58 = arith.constant 128 : i32
    %dma_start3A_59 = arith.constant 0 : i32
    %dma_start3A_60 = tpu.memref_slice %arg20[%dma_start3A_58, %dma_start3A_59] : memref<512x8xf32, #tpu.memory_space<vmem>> -> memref<128x8xf32, #tpu.memory_space<vmem>>
    %dma_start3A_61 = arith.constant 128 : i32
    %dma_start3A_62 = tpu.memref_slice %arg16[%dma_start3A_61] : memref<512xi32, #tpu.memory_space<vmem>> -> memref<128xi32, #tpu.memory_space<vmem>>
    %dma_start3A_63 = arith.constant 0 : i32
    %dma_start3A_64 = arith.constant 0 : i32
    %dma_start3A_65 = tpu.memref_slice %arg8[%dma_start3A_63, %dma_start3A_64] : memref<125000x8xf32, #tpu.memory_space<hbm>> -> memref<125000x8xf32, #tpu.memory_space<hbm>>
    tpu.enqueue_indirect_dma source(%dma_start3A_65 : memref<125000x8xf32, #tpu.memory_space<hbm>>) target(%dma_start3A_60 : memref<128x8xf32, #tpu.memory_space<vmem>>) offsets(%dma_start3A_62 : memref<128xi32, #tpu.memory_space<vmem>>) semaphore(%arg21 : memref<!tpu.dma_semaphore, #tpu.memory_space<semaphore_mem>>)
    %dma_start3A_66 = arith.constant 256 : i32
    %dma_start3A_67 = arith.constant 0 : i32
    %dma_start3A_68 = tpu.memref_slice %arg17[%dma_start3A_66, %dma_start3A_67] : memref<512x32xf32, #tpu.memory_space<vmem>> -> memref<128x32xf32, #tpu.memory_space<vmem>>
    %dma_start3A_69 = arith.constant 256 : i32
    %dma_start3A_70 = tpu.memref_slice %arg13[%dma_start3A_69] : memref<512xi32, #tpu.memory_space<vmem>> -> memref<128xi32, #tpu.memory_space<vmem>>
    %dma_start3A_71 = arith.constant 0 : i32
    %dma_start3A_72 = arith.constant 0 : i32
    %dma_start3A_73 = tpu.memref_slice %arg6[%dma_start3A_71, %dma_start3A_72] : memref<1000000x32xf32, #tpu.memory_space<hbm>> -> memref<1000000x32xf32, #tpu.memory_space<hbm>>
    tpu.enqueue_indirect_dma source(%dma_start3A_73 : memref<1000000x32xf32, #tpu.memory_space<hbm>>) target(%dma_start3A_68 : memref<128x32xf32, #tpu.memory_space<vmem>>) offsets(%dma_start3A_70 : memref<128xi32, #tpu.memory_space<vmem>>) semaphore(%arg21 : memref<!tpu.dma_semaphore, #tpu.memory_space<semaphore_mem>>)
    %dma_start3A_74 = arith.constant 256 : i32
    %dma_start3A_75 = arith.constant 0 : i32
    %dma_start3A_76 = tpu.memref_slice %arg18[%dma_start3A_74, %dma_start3A_75] : memref<512x32xf32, #tpu.memory_space<vmem>> -> memref<128x32xf32, #tpu.memory_space<vmem>>
    %dma_start3A_77 = arith.constant 256 : i32
    %dma_start3A_78 = tpu.memref_slice %arg14[%dma_start3A_77] : memref<512xi32, #tpu.memory_space<vmem>> -> memref<128xi32, #tpu.memory_space<vmem>>
    %dma_start3A_79 = arith.constant 0 : i32
    %dma_start3A_80 = arith.constant 0 : i32
    %dma_start3A_81 = tpu.memref_slice %arg7[%dma_start3A_79, %dma_start3A_80] : memref<1000000x32xf32, #tpu.memory_space<hbm>> -> memref<1000000x32xf32, #tpu.memory_space<hbm>>
    tpu.enqueue_indirect_dma source(%dma_start3A_81 : memref<1000000x32xf32, #tpu.memory_space<hbm>>) target(%dma_start3A_76 : memref<128x32xf32, #tpu.memory_space<vmem>>) offsets(%dma_start3A_78 : memref<128xi32, #tpu.memory_space<vmem>>) semaphore(%arg21 : memref<!tpu.dma_semaphore, #tpu.memory_space<semaphore_mem>>)
    %dma_start3A_82 = arith.constant 256 : i32
    %dma_start3A_83 = arith.constant 0 : i32
    %dma_start3A_84 = tpu.memref_slice %arg19[%dma_start3A_82, %dma_start3A_83] : memref<512x32xf32, #tpu.memory_space<vmem>> -> memref<128x32xf32, #tpu.memory_space<vmem>>
    %dma_start3A_85 = arith.constant 256 : i32
    %dma_start3A_86 = tpu.memref_slice %arg15[%dma_start3A_85] : memref<512xi32, #tpu.memory_space<vmem>> -> memref<128xi32, #tpu.memory_space<vmem>>
    %dma_start3A_87 = arith.constant 0 : i32
    %dma_start3A_88 = arith.constant 0 : i32
    %dma_start3A_89 = tpu.memref_slice %arg7[%dma_start3A_87, %dma_start3A_88] : memref<1000000x32xf32, #tpu.memory_space<hbm>> -> memref<1000000x32xf32, #tpu.memory_space<hbm>>
    tpu.enqueue_indirect_dma source(%dma_start3A_89 : memref<1000000x32xf32, #tpu.memory_space<hbm>>) target(%dma_start3A_84 : memref<128x32xf32, #tpu.memory_space<vmem>>) offsets(%dma_start3A_86 : memref<128xi32, #tpu.memory_space<vmem>>) semaphore(%arg21 : memref<!tpu.dma_semaphore, #tpu.memory_space<semaphore_mem>>)
    %dma_start3A_90 = arith.constant 256 : i32
    %dma_start3A_91 = arith.constant 0 : i32
    %dma_start3A_92 = tpu.memref_slice %arg20[%dma_start3A_90, %dma_start3A_91] : memref<512x8xf32, #tpu.memory_space<vmem>> -> memref<128x8xf32, #tpu.memory_space<vmem>>
    %dma_start3A_93 = arith.constant 256 : i32
    %dma_start3A_94 = tpu.memref_slice %arg16[%dma_start3A_93] : memref<512xi32, #tpu.memory_space<vmem>> -> memref<128xi32, #tpu.memory_space<vmem>>
    %dma_start3A_95 = arith.constant 0 : i32
    %dma_start3A_96 = arith.constant 0 : i32
    %dma_start3A_97 = tpu.memref_slice %arg8[%dma_start3A_95, %dma_start3A_96] : memref<125000x8xf32, #tpu.memory_space<hbm>> -> memref<125000x8xf32, #tpu.memory_space<hbm>>
    tpu.enqueue_indirect_dma source(%dma_start3A_97 : memref<125000x8xf32, #tpu.memory_space<hbm>>) target(%dma_start3A_92 : memref<128x8xf32, #tpu.memory_space<vmem>>) offsets(%dma_start3A_94 : memref<128xi32, #tpu.memory_space<vmem>>) semaphore(%arg21 : memref<!tpu.dma_semaphore, #tpu.memory_space<semaphore_mem>>)
    %dma_start3A_98 = arith.constant 384 : i32
    %dma_start3A_99 = arith.constant 0 : i32
    %dma_start3A_100 = tpu.memref_slice %arg17[%dma_start3A_98, %dma_start3A_99] : memref<512x32xf32, #tpu.memory_space<vmem>> -> memref<128x32xf32, #tpu.memory_space<vmem>>
    %dma_start3A_101 = arith.constant 384 : i32
    %dma_start3A_102 = tpu.memref_slice %arg13[%dma_start3A_101] : memref<512xi32, #tpu.memory_space<vmem>> -> memref<128xi32, #tpu.memory_space<vmem>>
    %dma_start3A_103 = arith.constant 0 : i32
    %dma_start3A_104 = arith.constant 0 : i32
    %dma_start3A_105 = tpu.memref_slice %arg6[%dma_start3A_103, %dma_start3A_104] : memref<1000000x32xf32, #tpu.memory_space<hbm>> -> memref<1000000x32xf32, #tpu.memory_space<hbm>>
    tpu.enqueue_indirect_dma source(%dma_start3A_105 : memref<1000000x32xf32, #tpu.memory_space<hbm>>) target(%dma_start3A_100 : memref<128x32xf32, #tpu.memory_space<vmem>>) offsets(%dma_start3A_102 : memref<128xi32, #tpu.memory_space<vmem>>) semaphore(%arg21 : memref<!tpu.dma_semaphore, #tpu.memory_space<semaphore_mem>>)
    %dma_start3A_106 = arith.constant 384 : i32
    %dma_start3A_107 = arith.constant 0 : i32
    %dma_start3A_108 = tpu.memref_slice %arg18[%dma_start3A_106, %dma_start3A_107] : memref<512x32xf32, #tpu.memory_space<vmem>> -> memref<128x32xf32, #tpu.memory_space<vmem>>
    %dma_start3A_109 = arith.constant 384 : i32
    %dma_start3A_110 = tpu.memref_slice %arg14[%dma_start3A_109] : memref<512xi32, #tpu.memory_space<vmem>> -> memref<128xi32, #tpu.memory_space<vmem>>
    %dma_start3A_111 = arith.constant 0 : i32
    %dma_start3A_112 = arith.constant 0 : i32
    %dma_start3A_113 = tpu.memref_slice %arg7[%dma_start3A_111, %dma_start3A_112] : memref<1000000x32xf32, #tpu.memory_space<hbm>> -> memref<1000000x32xf32, #tpu.memory_space<hbm>>
    tpu.enqueue_indirect_dma source(%dma_start3A_113 : memref<1000000x32xf32, #tpu.memory_space<hbm>>) target(%dma_start3A_108 : memref<128x32xf32, #tpu.memory_space<vmem>>) offsets(%dma_start3A_110 : memref<128xi32, #tpu.memory_space<vmem>>) semaphore(%arg21 : memref<!tpu.dma_semaphore, #tpu.memory_space<semaphore_mem>>)
    %dma_start3A_114 = arith.constant 384 : i32
    %dma_start3A_115 = arith.constant 0 : i32
    %dma_start3A_116 = tpu.memref_slice %arg19[%dma_start3A_114, %dma_start3A_115] : memref<512x32xf32, #tpu.memory_space<vmem>> -> memref<128x32xf32, #tpu.memory_space<vmem>>
    %dma_start3A_117 = arith.constant 384 : i32
    %dma_start3A_118 = tpu.memref_slice %arg15[%dma_start3A_117] : memref<512xi32, #tpu.memory_space<vmem>> -> memref<128xi32, #tpu.memory_space<vmem>>
    %dma_start3A_119 = arith.constant 0 : i32
    %dma_start3A_120 = arith.constant 0 : i32
    %dma_start3A_121 = tpu.memref_slice %arg7[%dma_start3A_119, %dma_start3A_120] : memref<1000000x32xf32, #tpu.memory_space<hbm>> -> memref<1000000x32xf32, #tpu.memory_space<hbm>>
    tpu.enqueue_indirect_dma source(%dma_start3A_121 : memref<1000000x32xf32, #tpu.memory_space<hbm>>) target(%dma_start3A_116 : memref<128x32xf32, #tpu.memory_space<vmem>>) offsets(%dma_start3A_118 : memref<128xi32, #tpu.memory_space<vmem>>) semaphore(%arg21 : memref<!tpu.dma_semaphore, #tpu.memory_space<semaphore_mem>>)
    %dma_start3A_122 = arith.constant 384 : i32
    %dma_start3A_123 = arith.constant 0 : i32
    %dma_start3A_124 = tpu.memref_slice %arg20[%dma_start3A_122, %dma_start3A_123] : memref<512x8xf32, #tpu.memory_space<vmem>> -> memref<128x8xf32, #tpu.memory_space<vmem>>
    %dma_start3A_125 = arith.constant 384 : i32
    %dma_start3A_126 = tpu.memref_slice %arg16[%dma_start3A_125] : memref<512xi32, #tpu.memory_space<vmem>> -> memref<128xi32, #tpu.memory_space<vmem>>
    %dma_start3A_127 = arith.constant 0 : i32
    %dma_start3A_128 = arith.constant 0 : i32
    %dma_start3A_129 = tpu.memref_slice %arg8[%dma_start3A_127, %dma_start3A_128] : memref<125000x8xf32, #tpu.memory_space<hbm>> -> memref<125000x8xf32, #tpu.memory_space<hbm>>
    tpu.enqueue_indirect_dma source(%dma_start3A_129 : memref<125000x8xf32, #tpu.memory_space<hbm>>) target(%dma_start3A_124 : memref<128x8xf32, #tpu.memory_space<vmem>>) offsets(%dma_start3A_126 : memref<128xi32, #tpu.memory_space<vmem>>) semaphore(%arg21 : memref<!tpu.dma_semaphore, #tpu.memory_space<semaphore_mem>>)
    %dma_wait3A = arith.constant 0 : i32
    %dma_wait3A_130 = arith.constant 0 : i32
    %dma_wait3A_131 = tpu.memref_slice %arg17[%dma_wait3A, %dma_wait3A_130] : memref<512x32xf32, #tpu.memory_space<vmem>> -> memref<128x32xf32, #tpu.memory_space<vmem>>
    %dma_wait3A_132 = arith.constant 0 : i32
    %dma_wait3A_133 = tpu.memref_slice %arg13[%dma_wait3A_132] : memref<512xi32, #tpu.memory_space<vmem>> -> memref<128xi32, #tpu.memory_space<vmem>>
    %dma_wait3A_134 = arith.constant 0 : i32
    %dma_wait3A_135 = arith.constant 0 : i32
    %dma_wait3A_136 = tpu.memref_slice %arg6[%dma_wait3A_134, %dma_wait3A_135] : memref<1000000x32xf32, #tpu.memory_space<hbm>> -> memref<1000000x32xf32, #tpu.memory_space<hbm>>
    tpu.wait_indirect_dma semaphore(%arg21 : memref<!tpu.dma_semaphore, #tpu.memory_space<semaphore_mem>>) src(%dma_wait3A_136 : memref<1000000x32xf32, #tpu.memory_space<hbm>>) dst(%dma_wait3A_131 : memref<128x32xf32, #tpu.memory_space<vmem>>)
    %dma_wait3A_137 = arith.constant 0 : i32
    %dma_wait3A_138 = arith.constant 0 : i32
    %dma_wait3A_139 = tpu.memref_slice %arg18[%dma_wait3A_137, %dma_wait3A_138] : memref<512x32xf32, #tpu.memory_space<vmem>> -> memref<128x32xf32, #tpu.memory_space<vmem>>
    %dma_wait3A_140 = arith.constant 0 : i32
    %dma_wait3A_141 = tpu.memref_slice %arg14[%dma_wait3A_140] : memref<512xi32, #tpu.memory_space<vmem>> -> memref<128xi32, #tpu.memory_space<vmem>>
    %dma_wait3A_142 = arith.constant 0 : i32
    %dma_wait3A_143 = arith.constant 0 : i32
    %dma_wait3A_144 = tpu.memref_slice %arg7[%dma_wait3A_142, %dma_wait3A_143] : memref<1000000x32xf32, #tpu.memory_space<hbm>> -> memref<1000000x32xf32, #tpu.memory_space<hbm>>
    tpu.wait_indirect_dma semaphore(%arg21 : memref<!tpu.dma_semaphore, #tpu.memory_space<semaphore_mem>>) src(%dma_wait3A_144 : memref<1000000x32xf32, #tpu.memory_space<hbm>>) dst(%dma_wait3A_139 : memref<128x32xf32, #tpu.memory_space<vmem>>)
    %dma_wait3A_145 = arith.constant 0 : i32
    %dma_wait3A_146 = arith.constant 0 : i32
    %dma_wait3A_147 = tpu.memref_slice %arg19[%dma_wait3A_145, %dma_wait3A_146] : memref<512x32xf32, #tpu.memory_space<vmem>> -> memref<128x32xf32, #tpu.memory_space<vmem>>
    %dma_wait3A_148 = arith.constant 0 : i32
    %dma_wait3A_149 = tpu.memref_slice %arg15[%dma_wait3A_148] : memref<512xi32, #tpu.memory_space<vmem>> -> memref<128xi32, #tpu.memory_space<vmem>>
    %dma_wait3A_150 = arith.constant 0 : i32
    %dma_wait3A_151 = arith.constant 0 : i32
    %dma_wait3A_152 = tpu.memref_slice %arg7[%dma_wait3A_150, %dma_wait3A_151] : memref<1000000x32xf32, #tpu.memory_space<hbm>> -> memref<1000000x32xf32, #tpu.memory_space<hbm>>
    tpu.wait_indirect_dma semaphore(%arg21 : memref<!tpu.dma_semaphore, #tpu.memory_space<semaphore_mem>>) src(%dma_wait3A_152 : memref<1000000x32xf32, #tpu.memory_space<hbm>>) dst(%dma_wait3A_147 : memref<128x32xf32, #tpu.memory_space<vmem>>)
    %dma_wait3A_153 = arith.constant 0 : i32
    %dma_wait3A_154 = arith.constant 0 : i32
    %dma_wait3A_155 = tpu.memref_slice %arg20[%dma_wait3A_153, %dma_wait3A_154] : memref<512x8xf32, #tpu.memory_space<vmem>> -> memref<128x8xf32, #tpu.memory_space<vmem>>
    %dma_wait3A_156 = arith.constant 0 : i32
    %dma_wait3A_157 = tpu.memref_slice %arg16[%dma_wait3A_156] : memref<512xi32, #tpu.memory_space<vmem>> -> memref<128xi32, #tpu.memory_space<vmem>>
    %dma_wait3A_158 = arith.constant 0 : i32
    %dma_wait3A_159 = arith.constant 0 : i32
    %dma_wait3A_160 = tpu.memref_slice %arg8[%dma_wait3A_158, %dma_wait3A_159] : memref<125000x8xf32, #tpu.memory_space<hbm>> -> memref<125000x8xf32, #tpu.memory_space<hbm>>
    tpu.wait_indirect_dma semaphore(%arg21 : memref<!tpu.dma_semaphore, #tpu.memory_space<semaphore_mem>>) src(%dma_wait3A_160 : memref<125000x8xf32, #tpu.memory_space<hbm>>) dst(%dma_wait3A_155 : memref<128x8xf32, #tpu.memory_space<vmem>>)
    %dma_wait3A_161 = arith.constant 128 : i32
    %dma_wait3A_162 = arith.constant 0 : i32
    %dma_wait3A_163 = tpu.memref_slice %arg17[%dma_wait3A_161, %dma_wait3A_162] : memref<512x32xf32, #tpu.memory_space<vmem>> -> memref<128x32xf32, #tpu.memory_space<vmem>>
    %dma_wait3A_164 = arith.constant 128 : i32
    %dma_wait3A_165 = tpu.memref_slice %arg13[%dma_wait3A_164] : memref<512xi32, #tpu.memory_space<vmem>> -> memref<128xi32, #tpu.memory_space<vmem>>
    %dma_wait3A_166 = arith.constant 0 : i32
    %dma_wait3A_167 = arith.constant 0 : i32
    %dma_wait3A_168 = tpu.memref_slice %arg6[%dma_wait3A_166, %dma_wait3A_167] : memref<1000000x32xf32, #tpu.memory_space<hbm>> -> memref<1000000x32xf32, #tpu.memory_space<hbm>>
    tpu.wait_indirect_dma semaphore(%arg21 : memref<!tpu.dma_semaphore, #tpu.memory_space<semaphore_mem>>) src(%dma_wait3A_168 : memref<1000000x32xf32, #tpu.memory_space<hbm>>) dst(%dma_wait3A_163 : memref<128x32xf32, #tpu.memory_space<vmem>>)
    %dma_wait3A_169 = arith.constant 128 : i32
    %dma_wait3A_170 = arith.constant 0 : i32
    %dma_wait3A_171 = tpu.memref_slice %arg18[%dma_wait3A_169, %dma_wait3A_170] : memref<512x32xf32, #tpu.memory_space<vmem>> -> memref<128x32xf32, #tpu.memory_space<vmem>>
    %dma_wait3A_172 = arith.constant 128 : i32
    %dma_wait3A_173 = tpu.memref_slice %arg14[%dma_wait3A_172] : memref<512xi32, #tpu.memory_space<vmem>> -> memref<128xi32, #tpu.memory_space<vmem>>
    %dma_wait3A_174 = arith.constant 0 : i32
    %dma_wait3A_175 = arith.constant 0 : i32
    %dma_wait3A_176 = tpu.memref_slice %arg7[%dma_wait3A_174, %dma_wait3A_175] : memref<1000000x32xf32, #tpu.memory_space<hbm>> -> memref<1000000x32xf32, #tpu.memory_space<hbm>>
    tpu.wait_indirect_dma semaphore(%arg21 : memref<!tpu.dma_semaphore, #tpu.memory_space<semaphore_mem>>) src(%dma_wait3A_176 : memref<1000000x32xf32, #tpu.memory_space<hbm>>) dst(%dma_wait3A_171 : memref<128x32xf32, #tpu.memory_space<vmem>>)
    %dma_wait3A_177 = arith.constant 128 : i32
    %dma_wait3A_178 = arith.constant 0 : i32
    %dma_wait3A_179 = tpu.memref_slice %arg19[%dma_wait3A_177, %dma_wait3A_178] : memref<512x32xf32, #tpu.memory_space<vmem>> -> memref<128x32xf32, #tpu.memory_space<vmem>>
    %dma_wait3A_180 = arith.constant 128 : i32
    %dma_wait3A_181 = tpu.memref_slice %arg15[%dma_wait3A_180] : memref<512xi32, #tpu.memory_space<vmem>> -> memref<128xi32, #tpu.memory_space<vmem>>
    %dma_wait3A_182 = arith.constant 0 : i32
    %dma_wait3A_183 = arith.constant 0 : i32
    %dma_wait3A_184 = tpu.memref_slice %arg7[%dma_wait3A_182, %dma_wait3A_183] : memref<1000000x32xf32, #tpu.memory_space<hbm>> -> memref<1000000x32xf32, #tpu.memory_space<hbm>>
    tpu.wait_indirect_dma semaphore(%arg21 : memref<!tpu.dma_semaphore, #tpu.memory_space<semaphore_mem>>) src(%dma_wait3A_184 : memref<1000000x32xf32, #tpu.memory_space<hbm>>) dst(%dma_wait3A_179 : memref<128x32xf32, #tpu.memory_space<vmem>>)
    %dma_wait3A_185 = arith.constant 128 : i32
    %dma_wait3A_186 = arith.constant 0 : i32
    %dma_wait3A_187 = tpu.memref_slice %arg20[%dma_wait3A_185, %dma_wait3A_186] : memref<512x8xf32, #tpu.memory_space<vmem>> -> memref<128x8xf32, #tpu.memory_space<vmem>>
    %dma_wait3A_188 = arith.constant 128 : i32
    %dma_wait3A_189 = tpu.memref_slice %arg16[%dma_wait3A_188] : memref<512xi32, #tpu.memory_space<vmem>> -> memref<128xi32, #tpu.memory_space<vmem>>
    %dma_wait3A_190 = arith.constant 0 : i32
    %dma_wait3A_191 = arith.constant 0 : i32
    %dma_wait3A_192 = tpu.memref_slice %arg8[%dma_wait3A_190, %dma_wait3A_191] : memref<125000x8xf32, #tpu.memory_space<hbm>> -> memref<125000x8xf32, #tpu.memory_space<hbm>>
    tpu.wait_indirect_dma semaphore(%arg21 : memref<!tpu.dma_semaphore, #tpu.memory_space<semaphore_mem>>) src(%dma_wait3A_192 : memref<125000x8xf32, #tpu.memory_space<hbm>>) dst(%dma_wait3A_187 : memref<128x8xf32, #tpu.memory_space<vmem>>)
    %dma_wait3A_193 = arith.constant 256 : i32
    %dma_wait3A_194 = arith.constant 0 : i32
    %dma_wait3A_195 = tpu.memref_slice %arg17[%dma_wait3A_193, %dma_wait3A_194] : memref<512x32xf32, #tpu.memory_space<vmem>> -> memref<128x32xf32, #tpu.memory_space<vmem>>
    %dma_wait3A_196 = arith.constant 256 : i32
    %dma_wait3A_197 = tpu.memref_slice %arg13[%dma_wait3A_196] : memref<512xi32, #tpu.memory_space<vmem>> -> memref<128xi32, #tpu.memory_space<vmem>>
    %dma_wait3A_198 = arith.constant 0 : i32
    %dma_wait3A_199 = arith.constant 0 : i32
    %dma_wait3A_200 = tpu.memref_slice %arg6[%dma_wait3A_198, %dma_wait3A_199] : memref<1000000x32xf32, #tpu.memory_space<hbm>> -> memref<1000000x32xf32, #tpu.memory_space<hbm>>
    tpu.wait_indirect_dma semaphore(%arg21 : memref<!tpu.dma_semaphore, #tpu.memory_space<semaphore_mem>>) src(%dma_wait3A_200 : memref<1000000x32xf32, #tpu.memory_space<hbm>>) dst(%dma_wait3A_195 : memref<128x32xf32, #tpu.memory_space<vmem>>)
    %dma_wait3A_201 = arith.constant 256 : i32
    %dma_wait3A_202 = arith.constant 0 : i32
    %dma_wait3A_203 = tpu.memref_slice %arg18[%dma_wait3A_201, %dma_wait3A_202] : memref<512x32xf32, #tpu.memory_space<vmem>> -> memref<128x32xf32, #tpu.memory_space<vmem>>
    %dma_wait3A_204 = arith.constant 256 : i32
    %dma_wait3A_205 = tpu.memref_slice %arg14[%dma_wait3A_204] : memref<512xi32, #tpu.memory_space<vmem>> -> memref<128xi32, #tpu.memory_space<vmem>>
    %dma_wait3A_206 = arith.constant 0 : i32
    %dma_wait3A_207 = arith.constant 0 : i32
    %dma_wait3A_208 = tpu.memref_slice %arg7[%dma_wait3A_206, %dma_wait3A_207] : memref<1000000x32xf32, #tpu.memory_space<hbm>> -> memref<1000000x32xf32, #tpu.memory_space<hbm>>
    tpu.wait_indirect_dma semaphore(%arg21 : memref<!tpu.dma_semaphore, #tpu.memory_space<semaphore_mem>>) src(%dma_wait3A_208 : memref<1000000x32xf32, #tpu.memory_space<hbm>>) dst(%dma_wait3A_203 : memref<128x32xf32, #tpu.memory_space<vmem>>)
    %dma_wait3A_209 = arith.constant 256 : i32
    %dma_wait3A_210 = arith.constant 0 : i32
    %dma_wait3A_211 = tpu.memref_slice %arg19[%dma_wait3A_209, %dma_wait3A_210] : memref<512x32xf32, #tpu.memory_space<vmem>> -> memref<128x32xf32, #tpu.memory_space<vmem>>
    %dma_wait3A_212 = arith.constant 256 : i32
    %dma_wait3A_213 = tpu.memref_slice %arg15[%dma_wait3A_212] : memref<512xi32, #tpu.memory_space<vmem>> -> memref<128xi32, #tpu.memory_space<vmem>>
    %dma_wait3A_214 = arith.constant 0 : i32
    %dma_wait3A_215 = arith.constant 0 : i32
    %dma_wait3A_216 = tpu.memref_slice %arg7[%dma_wait3A_214, %dma_wait3A_215] : memref<1000000x32xf32, #tpu.memory_space<hbm>> -> memref<1000000x32xf32, #tpu.memory_space<hbm>>
    tpu.wait_indirect_dma semaphore(%arg21 : memref<!tpu.dma_semaphore, #tpu.memory_space<semaphore_mem>>) src(%dma_wait3A_216 : memref<1000000x32xf32, #tpu.memory_space<hbm>>) dst(%dma_wait3A_211 : memref<128x32xf32, #tpu.memory_space<vmem>>)
    %dma_wait3A_217 = arith.constant 256 : i32
    %dma_wait3A_218 = arith.constant 0 : i32
    %dma_wait3A_219 = tpu.memref_slice %arg20[%dma_wait3A_217, %dma_wait3A_218] : memref<512x8xf32, #tpu.memory_space<vmem>> -> memref<128x8xf32, #tpu.memory_space<vmem>>
    %dma_wait3A_220 = arith.constant 256 : i32
    %dma_wait3A_221 = tpu.memref_slice %arg16[%dma_wait3A_220] : memref<512xi32, #tpu.memory_space<vmem>> -> memref<128xi32, #tpu.memory_space<vmem>>
    %dma_wait3A_222 = arith.constant 0 : i32
    %dma_wait3A_223 = arith.constant 0 : i32
    %dma_wait3A_224 = tpu.memref_slice %arg8[%dma_wait3A_222, %dma_wait3A_223] : memref<125000x8xf32, #tpu.memory_space<hbm>> -> memref<125000x8xf32, #tpu.memory_space<hbm>>
    tpu.wait_indirect_dma semaphore(%arg21 : memref<!tpu.dma_semaphore, #tpu.memory_space<semaphore_mem>>) src(%dma_wait3A_224 : memref<125000x8xf32, #tpu.memory_space<hbm>>) dst(%dma_wait3A_219 : memref<128x8xf32, #tpu.memory_space<vmem>>)
    %dma_wait3A_225 = arith.constant 384 : i32
    %dma_wait3A_226 = arith.constant 0 : i32
    %dma_wait3A_227 = tpu.memref_slice %arg17[%dma_wait3A_225, %dma_wait3A_226] : memref<512x32xf32, #tpu.memory_space<vmem>> -> memref<128x32xf32, #tpu.memory_space<vmem>>
    %dma_wait3A_228 = arith.constant 384 : i32
    %dma_wait3A_229 = tpu.memref_slice %arg13[%dma_wait3A_228] : memref<512xi32, #tpu.memory_space<vmem>> -> memref<128xi32, #tpu.memory_space<vmem>>
    %dma_wait3A_230 = arith.constant 0 : i32
    %dma_wait3A_231 = arith.constant 0 : i32
    %dma_wait3A_232 = tpu.memref_slice %arg6[%dma_wait3A_230, %dma_wait3A_231] : memref<1000000x32xf32, #tpu.memory_space<hbm>> -> memref<1000000x32xf32, #tpu.memory_space<hbm>>
    tpu.wait_indirect_dma semaphore(%arg21 : memref<!tpu.dma_semaphore, #tpu.memory_space<semaphore_mem>>) src(%dma_wait3A_232 : memref<1000000x32xf32, #tpu.memory_space<hbm>>) dst(%dma_wait3A_227 : memref<128x32xf32, #tpu.memory_space<vmem>>)
    %dma_wait3A_233 = arith.constant 384 : i32
    %dma_wait3A_234 = arith.constant 0 : i32
    %dma_wait3A_235 = tpu.memref_slice %arg18[%dma_wait3A_233, %dma_wait3A_234] : memref<512x32xf32, #tpu.memory_space<vmem>> -> memref<128x32xf32, #tpu.memory_space<vmem>>
    %dma_wait3A_236 = arith.constant 384 : i32
    %dma_wait3A_237 = tpu.memref_slice %arg14[%dma_wait3A_236] : memref<512xi32, #tpu.memory_space<vmem>> -> memref<128xi32, #tpu.memory_space<vmem>>
    %dma_wait3A_238 = arith.constant 0 : i32
    %dma_wait3A_239 = arith.constant 0 : i32
    %dma_wait3A_240 = tpu.memref_slice %arg7[%dma_wait3A_238, %dma_wait3A_239] : memref<1000000x32xf32, #tpu.memory_space<hbm>> -> memref<1000000x32xf32, #tpu.memory_space<hbm>>
    tpu.wait_indirect_dma semaphore(%arg21 : memref<!tpu.dma_semaphore, #tpu.memory_space<semaphore_mem>>) src(%dma_wait3A_240 : memref<1000000x32xf32, #tpu.memory_space<hbm>>) dst(%dma_wait3A_235 : memref<128x32xf32, #tpu.memory_space<vmem>>)
    %dma_wait3A_241 = arith.constant 384 : i32
    %dma_wait3A_242 = arith.constant 0 : i32
    %dma_wait3A_243 = tpu.memref_slice %arg19[%dma_wait3A_241, %dma_wait3A_242] : memref<512x32xf32, #tpu.memory_space<vmem>> -> memref<128x32xf32, #tpu.memory_space<vmem>>
    %dma_wait3A_244 = arith.constant 384 : i32
    %dma_wait3A_245 = tpu.memref_slice %arg15[%dma_wait3A_244] : memref<512xi32, #tpu.memory_space<vmem>> -> memref<128xi32, #tpu.memory_space<vmem>>
    %dma_wait3A_246 = arith.constant 0 : i32
    %dma_wait3A_247 = arith.constant 0 : i32
    %dma_wait3A_248 = tpu.memref_slice %arg7[%dma_wait3A_246, %dma_wait3A_247] : memref<1000000x32xf32, #tpu.memory_space<hbm>> -> memref<1000000x32xf32, #tpu.memory_space<hbm>>
    tpu.wait_indirect_dma semaphore(%arg21 : memref<!tpu.dma_semaphore, #tpu.memory_space<semaphore_mem>>) src(%dma_wait3A_248 : memref<1000000x32xf32, #tpu.memory_space<hbm>>) dst(%dma_wait3A_243 : memref<128x32xf32, #tpu.memory_space<vmem>>)
    %dma_wait3A_249 = arith.constant 384 : i32
    %dma_wait3A_250 = arith.constant 0 : i32
    %dma_wait3A_251 = tpu.memref_slice %arg20[%dma_wait3A_249, %dma_wait3A_250] : memref<512x8xf32, #tpu.memory_space<vmem>> -> memref<128x8xf32, #tpu.memory_space<vmem>>
    %dma_wait3A_252 = arith.constant 384 : i32
    %dma_wait3A_253 = tpu.memref_slice %arg16[%dma_wait3A_252] : memref<512xi32, #tpu.memory_space<vmem>> -> memref<128xi32, #tpu.memory_space<vmem>>
    %dma_wait3A_254 = arith.constant 0 : i32
    %dma_wait3A_255 = arith.constant 0 : i32
    %dma_wait3A_256 = tpu.memref_slice %arg8[%dma_wait3A_254, %dma_wait3A_255] : memref<125000x8xf32, #tpu.memory_space<hbm>> -> memref<125000x8xf32, #tpu.memory_space<hbm>>
    tpu.wait_indirect_dma semaphore(%arg21 : memref<!tpu.dma_semaphore, #tpu.memory_space<semaphore_mem>>) src(%dma_wait3A_256 : memref<125000x8xf32, #tpu.memory_space<hbm>>) dst(%dma_wait3A_251 : memref<128x8xf32, #tpu.memory_space<vmem>>)
    "tpu.region"() ({
      %run_scoped3A = tpu.sem_alloc : memref<!tpu.dma_semaphore, #tpu.memory_space<semaphore_mem>>
      %dma_start3A_257 = arith.constant 0 : i32
      %dma_start3A_258 = tpu.memref_slice %arg9[%mul3A_2, %dma_start3A_257] : memref<16384x32xf32, #tpu.memory_space<hbm>> -> memref<512x32xf32, #tpu.memory_space<hbm>>
      %dma_start3A_259 = arith.constant 0 : i32
      %dma_start3A_260 = tpu.memref_slice %arg9[%mul3A_2, %dma_start3A_259] : memref<16384x32xf32, #tpu.memory_space<hbm>> -> memref<512x32xf32, #tpu.memory_space<hbm>>
      tpu.enqueue_dma source(%arg17 : memref<512x32xf32, #tpu.memory_space<vmem>>) target(%dma_start3A_260 : memref<512x32xf32, #tpu.memory_space<hbm>>) target_semaphore(%run_scoped3A : memref<!tpu.dma_semaphore, #tpu.memory_space<semaphore_mem>>)
      %dma_wait3A_261 = arith.constant 0 : i32
      %dma_wait3A_262 = tpu.memref_slice %arg9[%mul3A_2, %dma_wait3A_261] : memref<16384x32xf32, #tpu.memory_space<hbm>> -> memref<512x32xf32, #tpu.memory_space<hbm>>
      %dma_wait3A_263 = arith.constant 0 : i32
      %dma_wait3A_264 = tpu.memref_slice %arg9[%mul3A_2, %dma_wait3A_263] : memref<16384x32xf32, #tpu.memory_space<hbm>> -> memref<512x32xf32, #tpu.memory_space<hbm>>
      tpu.wait_dma2 semaphore(%run_scoped3A : memref<!tpu.dma_semaphore, #tpu.memory_space<semaphore_mem>>) src(%arg17 : memref<512x32xf32, #tpu.memory_space<vmem>>) dst(%dma_wait3A_264 : memref<512x32xf32, #tpu.memory_space<hbm>>)
      tpu.yield
    }) : () -> ()
    "tpu.region"() ({
      %run_scoped3A = tpu.sem_alloc : memref<!tpu.dma_semaphore, #tpu.memory_space<semaphore_mem>>
      %dma_start3A_257 = arith.constant 0 : i32
      %dma_start3A_258 = tpu.memref_slice %arg10[%mul3A_2, %dma_start3A_257] : memref<16384x32xf32, #tpu.memory_space<hbm>> -> memref<512x32xf32, #tpu.memory_space<hbm>>
      %dma_start3A_259 = arith.constant 0 : i32
      %dma_start3A_260 = tpu.memref_slice %arg10[%mul3A_2, %dma_start3A_259] : memref<16384x32xf32, #tpu.memory_space<hbm>> -> memref<512x32xf32, #tpu.memory_space<hbm>>
      tpu.enqueue_dma source(%arg18 : memref<512x32xf32, #tpu.memory_space<vmem>>) target(%dma_start3A_260 : memref<512x32xf32, #tpu.memory_space<hbm>>) target_semaphore(%run_scoped3A : memref<!tpu.dma_semaphore, #tpu.memory_space<semaphore_mem>>)
      %dma_wait3A_261 = arith.constant 0 : i32
      %dma_wait3A_262 = tpu.memref_slice %arg10[%mul3A_2, %dma_wait3A_261] : memref<16384x32xf32, #tpu.memory_space<hbm>> -> memref<512x32xf32, #tpu.memory_space<hbm>>
      %dma_wait3A_263 = arith.constant 0 : i32
      %dma_wait3A_264 = tpu.memref_slice %arg10[%mul3A_2, %dma_wait3A_263] : memref<16384x32xf32, #tpu.memory_space<hbm>> -> memref<512x32xf32, #tpu.memory_space<hbm>>
      tpu.wait_dma2 semaphore(%run_scoped3A : memref<!tpu.dma_semaphore, #tpu.memory_space<semaphore_mem>>) src(%arg18 : memref<512x32xf32, #tpu.memory_space<vmem>>) dst(%dma_wait3A_264 : memref<512x32xf32, #tpu.memory_space<hbm>>)
      tpu.yield
    }) : () -> ()
    "tpu.region"() ({
      %run_scoped3A = tpu.sem_alloc : memref<!tpu.dma_semaphore, #tpu.memory_space<semaphore_mem>>
      %dma_start3A_257 = arith.constant 0 : i32
      %dma_start3A_258 = tpu.memref_slice %arg11[%mul3A_2, %dma_start3A_257] : memref<16384x32xf32, #tpu.memory_space<hbm>> -> memref<512x32xf32, #tpu.memory_space<hbm>>
      %dma_start3A_259 = arith.constant 0 : i32
      %dma_start3A_260 = tpu.memref_slice %arg11[%mul3A_2, %dma_start3A_259] : memref<16384x32xf32, #tpu.memory_space<hbm>> -> memref<512x32xf32, #tpu.memory_space<hbm>>
      tpu.enqueue_dma source(%arg19 : memref<512x32xf32, #tpu.memory_space<vmem>>) target(%dma_start3A_260 : memref<512x32xf32, #tpu.memory_space<hbm>>) target_semaphore(%run_scoped3A : memref<!tpu.dma_semaphore, #tpu.memory_space<semaphore_mem>>)
      %dma_wait3A_261 = arith.constant 0 : i32
      %dma_wait3A_262 = tpu.memref_slice %arg11[%mul3A_2, %dma_wait3A_261] : memref<16384x32xf32, #tpu.memory_space<hbm>> -> memref<512x32xf32, #tpu.memory_space<hbm>>
      %dma_wait3A_263 = arith.constant 0 : i32
      %dma_wait3A_264 = tpu.memref_slice %arg11[%mul3A_2, %dma_wait3A_263] : memref<16384x32xf32, #tpu.memory_space<hbm>> -> memref<512x32xf32, #tpu.memory_space<hbm>>
      tpu.wait_dma2 semaphore(%run_scoped3A : memref<!tpu.dma_semaphore, #tpu.memory_space<semaphore_mem>>) src(%arg19 : memref<512x32xf32, #tpu.memory_space<vmem>>) dst(%dma_wait3A_264 : memref<512x32xf32, #tpu.memory_space<hbm>>)
      tpu.yield
    }) : () -> ()
    "tpu.region"() ({
      %run_scoped3A = tpu.sem_alloc : memref<!tpu.dma_semaphore, #tpu.memory_space<semaphore_mem>>
      %dma_start3A_257 = arith.constant 0 : i32
      %dma_start3A_258 = tpu.memref_slice %arg12[%mul3A_2, %dma_start3A_257] : memref<16384x8xf32, #tpu.memory_space<hbm>> -> memref<512x8xf32, #tpu.memory_space<hbm>>
      %dma_start3A_259 = arith.constant 0 : i32
      %dma_start3A_260 = tpu.memref_slice %arg12[%mul3A_2, %dma_start3A_259] : memref<16384x8xf32, #tpu.memory_space<hbm>> -> memref<512x8xf32, #tpu.memory_space<hbm>>
      tpu.enqueue_dma source(%arg20 : memref<512x8xf32, #tpu.memory_space<vmem>>) target(%dma_start3A_260 : memref<512x8xf32, #tpu.memory_space<hbm>>) target_semaphore(%run_scoped3A : memref<!tpu.dma_semaphore, #tpu.memory_space<semaphore_mem>>)
      %dma_wait3A_261 = arith.constant 0 : i32
      %dma_wait3A_262 = tpu.memref_slice %arg12[%mul3A_2, %dma_wait3A_261] : memref<16384x8xf32, #tpu.memory_space<hbm>> -> memref<512x8xf32, #tpu.memory_space<hbm>>
      %dma_wait3A_263 = arith.constant 0 : i32
      %dma_wait3A_264 = tpu.memref_slice %arg12[%mul3A_2, %dma_wait3A_263] : memref<16384x8xf32, #tpu.memory_space<hbm>> -> memref<512x8xf32, #tpu.memory_space<hbm>>
      tpu.wait_dma2 semaphore(%run_scoped3A : memref<!tpu.dma_semaphore, #tpu.memory_space<semaphore_mem>>) src(%arg20 : memref<512x8xf32, #tpu.memory_space<vmem>>) dst(%dma_wait3A_264 : memref<512x8xf32, #tpu.memory_space<hbm>>)
      tpu.yield
    }) : () -> ()
    return
  }
}

module attributes {stable_mosaic.version = 14 : i64} {
  func.func @_tc_math_body(%arg0: i32, %arg1: memref<2048x32xf32, #tpu.memory_space<vmem>>, %arg2: memref<2048x32xf32, #tpu.memory_space<vmem>>, %arg3: memref<2048x32xf32, #tpu.memory_space<vmem>>, %arg4: memref<2048x8xf32, #tpu.memory_space<vmem>>, %arg5: memref<2048x1xi32, #tpu.memory_space<vmem>>, %arg6: memref<1x32xf32, #tpu.memory_space<vmem>>, %arg7: memref<2048x1xf32, #tpu.memory_space<vmem>>) attributes {dimension_semantics = [#tpu.dimension_semantics<arbitrary>], iteration_bounds = array<i64: 8>, scalar_prefetch = 0 : i64, scratch_operands = 0 : i64, tpu.core_type = #tpu.core_type<tc>, window_params = [{transform_indices = @transform_0, window_bounds = array<i64: 2048, 32>}, {transform_indices = @transform_1, window_bounds = array<i64: 2048, 32>}, {transform_indices = @transform_2, window_bounds = array<i64: 2048, 32>}, {transform_indices = @transform_3, window_bounds = array<i64: 2048, 8>}, {transform_indices = @transform_4, window_bounds = array<i64: 2048, 1>}, {pipeline_mode = #tpu.pipeline_mode<synchronous>, transform_indices = @transform_5, window_bounds = array<i64: 1, 32>}, {transform_indices = @transform_6, window_bounds = array<i64: 2048, 1>}]} {
    %get3A = arith.constant 0 : index
    %get3A_0 = arith.constant 0 : index
    %get3A_1 = vector.load %arg1[%get3A, %get3A_0] : memref<2048x32xf32, #tpu.memory_space<vmem>>, vector<2048x32xf32>
    %get3A_2 = arith.constant 0 : index
    %get3A_3 = arith.constant 0 : index
    %get3A_4 = vector.load %arg6[%get3A_2, %get3A_3] : memref<1x32xf32, #tpu.memory_space<vmem>>, vector<1x32xf32>
    %add3A = vector.broadcast %get3A_4 : vector<1x32xf32> to vector<2048x32xf32>
    %add3A_5 = arith.addf %get3A_1, %add3A : vector<2048x32xf32>
    %get3A_6 = arith.constant 0 : index
    %get3A_7 = arith.constant 0 : index
    %get3A_8 = vector.load %arg2[%get3A_6, %get3A_7] : memref<2048x32xf32, #tpu.memory_space<vmem>>, vector<2048x32xf32>
    %add3A_9 = arith.addf %add3A_5, %get3A_8 : vector<2048x32xf32>
    %slice3A = vector.extract_strided_slice %add3A_9 {offsets = [0, 0], sizes = [2048, 1], strides = [1, 1]} : vector<2048x32xf32> to vector<2048x1xf32>
    %slice3A_10 = vector.extract_strided_slice %add3A_9 {offsets = [0, 1], sizes = [2048, 31], strides = [1, 1]} : vector<2048x32xf32> to vector<2048x31xf32>
    %neg3A = arith.constant 0.000000e+00 : f32
    %neg3A_11 = vector.broadcast %neg3A : f32 to vector<2048x1xf32>
    %neg3A_12 = arith.subf %neg3A_11, %slice3A : vector<2048x1xf32>
    %mul3A = arith.mulf %neg3A_12, %slice3A : vector<2048x1xf32>
    %mul3A_13 = arith.mulf %slice3A_10, %slice3A_10 : vector<2048x31xf32>
    %reduce_sum3A = arith.constant dense<0.000000e+00> : vector<2048xf32>
    %reduce_sum3A_14 = vector.multi_reduction <add>, %mul3A_13, %reduce_sum3A [1] : vector<2048x31xf32> to vector<2048xf32>
    %broadcast_in_dim3A = vector.shape_cast %reduce_sum3A_14 : vector<2048xf32> to vector<2048x1xf32>
    %add3A_15 = arith.addf %mul3A, %broadcast_in_dim3A : vector<2048x1xf32>
    %add3A_16 = arith.constant 9.99999974E-6 : f32
    %add3A_17 = vector.broadcast %add3A_16 : f32 to vector<2048x1xf32>
    %add3A_18 = arith.addf %add3A_15, %add3A_17 : vector<2048x1xf32>
    %jit3A = arith.constant 1.000000e-10 : f32
    %max3A = vector.broadcast %jit3A : f32 to vector<2048x1xf32>
    %max3A_19 = arith.maximumf %max3A, %add3A_18 : vector<2048x1xf32>
    %sqrt3A = math.sqrt %max3A_19 : vector<2048x1xf32>
    %min3A = arith.constant 1.000000e+03 : f32
    %min3A_20 = vector.broadcast %min3A : f32 to vector<2048x1xf32>
    %min3A_21 = arith.minimumf %sqrt3A, %min3A_20 : vector<2048x1xf32>
    %exp3A = math.exp %min3A_21 : vector<2048x1xf32>
    %div3A = arith.constant 1.000000e+00 : f32
    %div3A_22 = vector.broadcast %div3A : f32 to vector<2048x1xf32>
    %div3A_23 = arith.divf %div3A_22, %exp3A : vector<2048x1xf32>
    %sub3A = arith.subf %exp3A, %div3A_23 : vector<2048x1xf32>
    %mul3A_24 = arith.constant 5.000000e-01 : f32
    %mul3A_25 = vector.broadcast %mul3A_24 : f32 to vector<2048x1xf32>
    %mul3A_26 = arith.mulf %mul3A_25, %sub3A : vector<2048x1xf32>
    %div3A_27 = arith.divf %mul3A_26, %sqrt3A : vector<2048x1xf32>
    %mul3A_28 = vector.broadcast %div3A_27 : vector<2048x1xf32> to vector<2048x31xf32>
    %mul3A_29 = arith.mulf %mul3A_28, %slice3A_10 : vector<2048x31xf32>
    %mul3A_30 = arith.mulf %mul3A_29, %mul3A_29 : vector<2048x31xf32>
    %reduce_sum3A_31 = arith.constant dense<0.000000e+00> : vector<2048xf32>
    %reduce_sum3A_32 = vector.multi_reduction <add>, %mul3A_30, %reduce_sum3A_31 [1] : vector<2048x31xf32> to vector<2048xf32>
    %broadcast_in_dim3A_33 = vector.shape_cast %reduce_sum3A_32 : vector<2048xf32> to vector<2048x1xf32>
    %sqrt3A_34 = math.sqrt %broadcast_in_dim3A_33 : vector<2048x1xf32>
    %gt3A = arith.constant 1.000000e+03 : f32
    %gt3A_35 = vector.broadcast %gt3A : f32 to vector<2048x1xf32>
    %gt3A_36 = arith.cmpf ogt, %sqrt3A_34, %gt3A_35 : vector<2048x1xf32>
    %max3A_37 = arith.constant 9.99999996E-13 : f32
    %max3A_38 = vector.broadcast %max3A_37 : f32 to vector<2048x1xf32>
    %max3A_39 = arith.maximumf %sqrt3A_34, %max3A_38 : vector<2048x1xf32>
    %div3A_40 = arith.constant 1.000000e+03 : f32
    %div3A_41 = vector.broadcast %div3A_40 : f32 to vector<2048x1xf32>
    %div3A_42 = arith.divf %div3A_41, %max3A_39 : vector<2048x1xf32>
    %jit3A_43 = arith.constant 1.000000e+00 : f32
    %broadcast_in_dim3A_44 = vector.broadcast %jit3A_43 : f32 to vector<2048x1xf32>
    %select_n3A = arith.select %gt3A_36, %div3A_42, %broadcast_in_dim3A_44 : vector<2048x1xi1>, vector<2048x1xf32>
    %mul3A_45 = vector.broadcast %select_n3A : vector<2048x1xf32> to vector<2048x31xf32>
    %mul3A_46 = arith.mulf %mul3A_29, %mul3A_45 : vector<2048x31xf32>
    %mul3A_47 = arith.mulf %mul3A_46, %mul3A_46 : vector<2048x31xf32>
    %reduce_sum3A_48 = arith.constant dense<0.000000e+00> : vector<2048xf32>
    %reduce_sum3A_49 = vector.multi_reduction <add>, %mul3A_47, %reduce_sum3A_48 [1] : vector<2048x31xf32> to vector<2048xf32>
    %broadcast_in_dim3A_50 = vector.shape_cast %reduce_sum3A_49 : vector<2048xf32> to vector<2048x1xf32>
    %add3A_51 = arith.constant 1.000000e+00 : f32
    %add3A_52 = vector.broadcast %add3A_51 : f32 to vector<2048x1xf32>
    %add3A_53 = arith.addf %add3A_52, %broadcast_in_dim3A_50 : vector<2048x1xf32>
    %sqrt3A_54 = math.sqrt %add3A_53 : vector<2048x1xf32>
    %get3A_55 = arith.constant 0 : index
    %get3A_56 = arith.constant 0 : index
    %get3A_57 = vector.load %arg3[%get3A_55, %get3A_56] : memref<2048x32xf32, #tpu.memory_space<vmem>>, vector<2048x32xf32>
    %slice3A_58 = vector.extract_strided_slice %get3A_57 {offsets = [0, 0], sizes = [2048, 1], strides = [1, 1]} : vector<2048x32xf32> to vector<2048x1xf32>
    %slice3A_59 = vector.extract_strided_slice %get3A_57 {offsets = [0, 1], sizes = [2048, 31], strides = [1, 1]} : vector<2048x32xf32> to vector<2048x31xf32>
    %neg3A_60 = arith.constant 0.000000e+00 : f32
    %neg3A_61 = vector.broadcast %neg3A_60 : f32 to vector<2048x1xf32>
    %neg3A_62 = arith.subf %neg3A_61, %slice3A_58 : vector<2048x1xf32>
    %mul3A_63 = arith.mulf %neg3A_62, %slice3A_58 : vector<2048x1xf32>
    %mul3A_64 = arith.mulf %slice3A_59, %slice3A_59 : vector<2048x31xf32>
    %reduce_sum3A_65 = arith.constant dense<0.000000e+00> : vector<2048xf32>
    %reduce_sum3A_66 = vector.multi_reduction <add>, %mul3A_64, %reduce_sum3A_65 [1] : vector<2048x31xf32> to vector<2048xf32>
    %broadcast_in_dim3A_67 = vector.shape_cast %reduce_sum3A_66 : vector<2048xf32> to vector<2048x1xf32>
    %add3A_68 = arith.addf %mul3A_63, %broadcast_in_dim3A_67 : vector<2048x1xf32>
    %add3A_69 = arith.constant 9.99999974E-6 : f32
    %add3A_70 = vector.broadcast %add3A_69 : f32 to vector<2048x1xf32>
    %add3A_71 = arith.addf %add3A_68, %add3A_70 : vector<2048x1xf32>
    %jit3A_72 = arith.constant 1.000000e-10 : f32
    %max3A_73 = vector.broadcast %jit3A_72 : f32 to vector<2048x1xf32>
    %max3A_74 = arith.maximumf %max3A_73, %add3A_71 : vector<2048x1xf32>
    %sqrt3A_75 = math.sqrt %max3A_74 : vector<2048x1xf32>
    %min3A_76 = arith.constant 1.000000e+03 : f32
    %min3A_77 = vector.broadcast %min3A_76 : f32 to vector<2048x1xf32>
    %min3A_78 = arith.minimumf %sqrt3A_75, %min3A_77 : vector<2048x1xf32>
    %exp3A_79 = math.exp %min3A_78 : vector<2048x1xf32>
    %div3A_80 = arith.constant 1.000000e+00 : f32
    %div3A_81 = vector.broadcast %div3A_80 : f32 to vector<2048x1xf32>
    %div3A_82 = arith.divf %div3A_81, %exp3A_79 : vector<2048x1xf32>
    %sub3A_83 = arith.subf %exp3A_79, %div3A_82 : vector<2048x1xf32>
    %mul3A_84 = arith.constant 5.000000e-01 : f32
    %mul3A_85 = vector.broadcast %mul3A_84 : f32 to vector<2048x1xf32>
    %mul3A_86 = arith.mulf %mul3A_85, %sub3A_83 : vector<2048x1xf32>
    %div3A_87 = arith.divf %mul3A_86, %sqrt3A_75 : vector<2048x1xf32>
    %mul3A_88 = vector.broadcast %div3A_87 : vector<2048x1xf32> to vector<2048x31xf32>
    %mul3A_89 = arith.mulf %mul3A_88, %slice3A_59 : vector<2048x31xf32>
    %mul3A_90 = arith.mulf %mul3A_89, %mul3A_89 : vector<2048x31xf32>
    %reduce_sum3A_91 = arith.constant dense<0.000000e+00> : vector<2048xf32>
    %reduce_sum3A_92 = vector.multi_reduction <add>, %mul3A_90, %reduce_sum3A_91 [1] : vector<2048x31xf32> to vector<2048xf32>
    %broadcast_in_dim3A_93 = vector.shape_cast %reduce_sum3A_92 : vector<2048xf32> to vector<2048x1xf32>
    %sqrt3A_94 = math.sqrt %broadcast_in_dim3A_93 : vector<2048x1xf32>
    %gt3A_95 = arith.constant 1.000000e+03 : f32
    %gt3A_96 = vector.broadcast %gt3A_95 : f32 to vector<2048x1xf32>
    %gt3A_97 = arith.cmpf ogt, %sqrt3A_94, %gt3A_96 : vector<2048x1xf32>
    %max3A_98 = arith.constant 9.99999996E-13 : f32
    %max3A_99 = vector.broadcast %max3A_98 : f32 to vector<2048x1xf32>
    %max3A_100 = arith.maximumf %sqrt3A_94, %max3A_99 : vector<2048x1xf32>
    %div3A_101 = arith.constant 1.000000e+03 : f32
    %div3A_102 = vector.broadcast %div3A_101 : f32 to vector<2048x1xf32>
    %div3A_103 = arith.divf %div3A_102, %max3A_100 : vector<2048x1xf32>
    %jit3A_104 = arith.constant 1.000000e+00 : f32
    %broadcast_in_dim3A_105 = vector.broadcast %jit3A_104 : f32 to vector<2048x1xf32>
    %select_n3A_106 = arith.select %gt3A_97, %div3A_103, %broadcast_in_dim3A_105 : vector<2048x1xi1>, vector<2048x1xf32>
    %mul3A_107 = vector.broadcast %select_n3A_106 : vector<2048x1xf32> to vector<2048x31xf32>
    %mul3A_108 = arith.mulf %mul3A_89, %mul3A_107 : vector<2048x31xf32>
    %mul3A_109 = arith.mulf %mul3A_108, %mul3A_108 : vector<2048x31xf32>
    %reduce_sum3A_110 = arith.constant dense<0.000000e+00> : vector<2048xf32>
    %reduce_sum3A_111 = vector.multi_reduction <add>, %mul3A_109, %reduce_sum3A_110 [1] : vector<2048x31xf32> to vector<2048xf32>
    %broadcast_in_dim3A_112 = vector.shape_cast %reduce_sum3A_111 : vector<2048xf32> to vector<2048x1xf32>
    %add3A_113 = arith.constant 1.000000e+00 : f32
    %add3A_114 = vector.broadcast %add3A_113 : f32 to vector<2048x1xf32>
    %add3A_115 = arith.addf %add3A_114, %broadcast_in_dim3A_112 : vector<2048x1xf32>
    %sqrt3A_116 = math.sqrt %add3A_115 : vector<2048x1xf32>
    %neg3A_117 = arith.constant 0.000000e+00 : f32
    %neg3A_118 = vector.broadcast %neg3A_117 : f32 to vector<2048x1xf32>
    %neg3A_119 = arith.subf %neg3A_118, %sqrt3A_54 : vector<2048x1xf32>
    %mul3A_120 = arith.mulf %neg3A_119, %sqrt3A_116 : vector<2048x1xf32>
    %mul3A_121 = arith.mulf %mul3A_46, %mul3A_108 : vector<2048x31xf32>
    %reduce_sum3A_122 = arith.constant dense<0.000000e+00> : vector<2048xf32>
    %reduce_sum3A_123 = vector.multi_reduction <add>, %mul3A_121, %reduce_sum3A_122 [1] : vector<2048x31xf32> to vector<2048xf32>
    %broadcast_in_dim3A_124 = vector.shape_cast %reduce_sum3A_123 : vector<2048xf32> to vector<2048x1xf32>
    %add3A_125 = arith.addf %mul3A_120, %broadcast_in_dim3A_124 : vector<2048x1xf32>
    %neg3A_126 = arith.constant 0.000000e+00 : f32
    %neg3A_127 = vector.broadcast %neg3A_126 : f32 to vector<2048x1xf32>
    %neg3A_128 = arith.subf %neg3A_127, %add3A_125 : vector<2048x1xf32>
    %mul3A_129 = arith.mulf %neg3A_128, %neg3A_128 : vector<2048x1xf32>
    %sub3A_130 = arith.constant 1.000000e+00 : f32
    %sub3A_131 = vector.broadcast %sub3A_130 : f32 to vector<2048x1xf32>
    %sub3A_132 = arith.subf %mul3A_129, %sub3A_131 : vector<2048x1xf32>
    %jit3A_133 = arith.constant 1.000000e-10 : f32
    %max3A_134 = vector.broadcast %jit3A_133 : f32 to vector<2048x1xf32>
    %max3A_135 = arith.maximumf %max3A_134, %sub3A_132 : vector<2048x1xf32>
    %sqrt3A_136 = math.sqrt %max3A_135 : vector<2048x1xf32>
    %add3A_137 = arith.addf %neg3A_128, %sqrt3A_136 : vector<2048x1xf32>
    %log3A = math.log %add3A_137 : vector<2048x1xf32>
    %iota3A = tpu.iota {dimensions = array<i32: 1>} : vector<2048x8xi32>
    %get3A_138 = arith.constant 0 : index
    %get3A_139 = arith.constant 0 : index
    %get3A_140 = vector.load %arg5[%get3A_138, %get3A_139] : memref<2048x1xi32, #tpu.memory_space<vmem>>, vector<2048x1xi32>
    %eq3A = vector.broadcast %get3A_140 : vector<2048x1xi32> to vector<2048x8xi32>
    %eq3A_141 = arith.cmpi eq, %iota3A, %eq3A : vector<2048x8xi32>
    %get3A_142 = arith.constant 0 : index
    %get3A_143 = arith.constant 0 : index
    %get3A_144 = vector.load %arg4[%get3A_142, %get3A_143] : memref<2048x8xf32, #tpu.memory_space<vmem>>, vector<2048x8xf32>
    %jit3A_145 = arith.constant 0.000000e+00 : f32
    %broadcast_in_dim3A_146 = vector.broadcast %jit3A_145 : f32 to vector<2048x8xf32>
    %select_n3A_147 = arith.select %eq3A_141, %get3A_144, %broadcast_in_dim3A_146 : vector<2048x8xi1>, vector<2048x8xf32>
    %reduce_sum3A_148 = arith.constant dense<0.000000e+00> : vector<2048xf32>
    %reduce_sum3A_149 = vector.multi_reduction <add>, %select_n3A_147, %reduce_sum3A_148 [1] : vector<2048x8xf32> to vector<2048xf32>
    %broadcast_in_dim3A_150 = vector.shape_cast %reduce_sum3A_149 : vector<2048xf32> to vector<2048x1xf32>
    %neg3A_151 = arith.constant 0.000000e+00 : f32
    %neg3A_152 = vector.broadcast %neg3A_151 : f32 to vector<2048x1xf32>
    %neg3A_153 = arith.subf %neg3A_152, %log3A : vector<2048x1xf32>
    %add3A_154 = arith.addf %neg3A_153, %broadcast_in_dim3A_150 : vector<2048x1xf32>
    %swap3A = arith.constant 0 : index
    %swap3A_155 = arith.constant 0 : index
    %swap3A_156 = vector.load %arg7[%swap3A, %swap3A_155] : memref<2048x1xf32, #tpu.memory_space<vmem>>, vector<2048x1xf32>
    tpu.vector_store %arg7[%swap3A, %swap3A_155], %add3A_154 {strides = array<i32>} : memref<2048x1xf32, #tpu.memory_space<vmem>>, vector<2048x1xf32>,
    return
  }
  func.func @transform_0(%arg0: i32) -> (i32, i32) {
    %c0_i32 = arith.constant 0 : i32
    %c0_i32_0 = arith.constant 0 : i32
    return %arg0, %c0_i32 : i32, i32
  }
  func.func @transform_1(%arg0: i32) -> (i32, i32) {
    %c0_i32 = arith.constant 0 : i32
    %c0_i32_0 = arith.constant 0 : i32
    return %arg0, %c0_i32 : i32, i32
  }
  func.func @transform_2(%arg0: i32) -> (i32, i32) {
    %c0_i32 = arith.constant 0 : i32
    %c0_i32_0 = arith.constant 0 : i32
    return %arg0, %c0_i32 : i32, i32
  }
  func.func @transform_3(%arg0: i32) -> (i32, i32) {
    %c0_i32 = arith.constant 0 : i32
    %c0_i32_0 = arith.constant 0 : i32
    return %arg0, %c0_i32 : i32, i32
  }
  func.func @transform_4(%arg0: i32) -> (i32, i32) {
    %c0_i32 = arith.constant 0 : i32
    %c0_i32_0 = arith.constant 0 : i32
    return %arg0, %c0_i32 : i32, i32
  }
  func.func @transform_5(%arg0: i32) -> (i32, i32) {
    %c0_i32 = arith.constant 0 : i32
    %c0_i32_0 = arith.constant 0 : i32
    %c0_i32_1 = arith.constant 0 : i32
    return %c0_i32, %c0_i32_0 : i32, i32
  }
  func.func @transform_6(%arg0: i32) -> (i32, i32) {
    %c0_i32 = arith.constant 0 : i32
    %c0_i32_0 = arith.constant 0 : i32
    return %arg0, %c0_i32 : i32, i32
  }
}

</mosaic_0001>

<sc_bundles>
// kernel: kernel.4.cloned.1.call-start
scs
__scs_entry_jumppad:
0x0: {  	(pc) =	sbr.rel $0x88, $3  }
0x1: {  	(tag) =	ssettag $0x0;
	lr =	simm.s32 $0x1  }
0x2: {  	[smem:$0x3F9A] =	sst lr;
	_ =	strace $0xD0000000  }
0x3: {  	_ = 	snop  }
0x4: {  	_ = 	snop  }
0x5: {  	_ = 	snop  }
0x6: {  	_ = 	snop  }
0x7: {  	_ = 	snop  }
__scs_overlays_trampoline_lowered:
0x8: {  	[smem:$0x3FA9] =	sst s0  }
0x9: {  	[smem:$0x3FAA] =	sst s1  }
0xa: {  	[smem:$0x3FAB] =	sst s2  }
0xb: {  	[smem:$0x3FAC] =	sst s3  }
0xc: {  	[smem:$0x3FAD] =	sst s4  }
0xd: {  	[smem:$0x3FAE] =	sst s5  }
0xe: {  	[smem:$0x3FAF] =	sst s6  }
0xf: {  	[smem:$0x3FB0] =	sst s7  }
0x10: {  	[smem:$0x3FB1] =	sst s8  }
0x11: {  	[smem:$0x3FB2] =	sst s9;
	s0 =	simm.s32 @!p0 $0x0  }
0x12: {  	s1 =	sld [smem:$0x3F98];
	s0 =	simm.s32 @p0 $0x1  }
0x13: {  	[smem:$0x3FB3] =	sst s0;
	s0 =	simm.s32 @!p1 $0x0  }
0x14: {  	s2 =	sld [smem:$0x3F97];
	s0 =	simm.s32 @p1 $0x1  }
0x15: {  	[smem:$0x3FB4] =	sst s0;
	s0 =	simm.s32 @!p2 $0x0  }
0x16: {  	s3 =	sld [smem:$0x3FDB];
	s0 =	simm.s32 @p2 $0x1  }
0x17: {  	s4 =	simm.s32 $0x1BF5;
	[smem:$0x3FB6] =	sst s0  }
0x18: {  	s0 =	sld [smem:$0x3F99];
	_ =	swait.ge [sflag:s4], $0x0  }
0x19: {  	s7 =	sld [smem:$0x3F9A]  }
0x1a: {  	s8 =	sadd.s32 $0xFFFFE003, lr  }
0x1b: {  	s9 =	sadd.s32 $0xFFFFFEF7, lr;
	s5 =	simm.s32 $0xFFFFFFFF;
	p2 =	slt.u32 s8, $0xFFFFF086  }
0x1c: {  	p1 =	slt.u32 s9, $0xF7A;
	s5 =	simm.s32 @!p2 $0x0  }
0x1d: {  	s5 =	simm.s32 @p1 $0x1;
	p0 =	seq.s32 s7, s2  }
0x1e: {  	s7 =	smul.u32 @!p0 $0xF7A, s2;
	p2 =	seq.s32 @!p0 s5, $0x0  }
0x1f: {  	s9 =	smul.u32 $0xF7A, s1;
	s8 =	simm.s32 @!p0 $0x1BF5;
	p2 =	por !p2, p0  }
0x20: {  	[sflag:s8] =	ssyncset.s32 @!p0 $0xFFFFF086;
	s6 =	sadd.s32 @!p0 s3, s7;
	s7 =	simm.s32 @!p0 $0x108  }
0x21: {  	s3 =	sadd.s32 s3, s9;
	s6 =	sadd.s32 @!p0 $0x88, s6;
	s7 =	simm.s32 @p2 $0x1082  }
0x22: {  	[simem:s7], [sflag:s8] =	dma.local @!p0 [hbm:s6], $0xF7A  }
0x23: {  	s9 =	sor.u32 $0xD0000000, s2;
	s6 =	simm.s32 $0x108;
	_ =	swait.ge @!p0 [sflag:s8], $0x0  }
0x24: {  	s3 =	sadd.s32 $0x88, s3;
	s6 =	simm.s32 @!p1 $0x1082;
	[sflag:s4] =	ssyncset.s32 $0xFFFFF086  }
0x25: {  	[simem:s6], [sflag:s4] =	dma.local [hbm:s3], $0xF7A  }
0x26: {  	[smem:$0x3F9A] =	sst s1;
	(tag) =	ssettag s2;
	_ =	strace s9  }
0x27: {  	s1 =	sld [smem:$0x3FAA]  }
0x28: {  	s2 =	sld [smem:$0x3FAB]  }
0x29: {  	s4 =	sld [smem:$0x3FAD]  }
0x2a: {  	p0 =	seq.s32 s5, $0x0;
	s5 =	sld [smem:$0x3FAE]  }
0x2b: {  	s6 =	sld [smem:$0x3FAF]  }
0x2c: {  	s7 =	sld [smem:$0x3FB0]  }
0x2d: {  	s3 =	simm.s32 $0x108;
	s8 =	sld [smem:$0x3FB1]  }
0x2e: {  	s3 =	simm.s32 @!p0 $0x1082;
	s9 =	sld [smem:$0x3FB2]  }
0x2f: {  	lr =	sadd.s32 s0, s3;
	s0 =	sld [smem:$0x3FA9]  }
0x30: {  	s3 =	sld [smem:$0x3FAC]  }
0x31: {  	[smem:$0x3FB5] =	sst s10  }
0x32: {  	s10 =	sld [smem:$0x3FB3];
	_ =	sdelay $0x3  }
0x33: {  	p0 =	seq.s32 s10, $0x1;
	s10 =	sld [smem:$0x3FB5];
	_ =	sdelay $0x3  }
0x34: {  	[smem:$0x3FB5] =	sst s10  }
0x35: {  	s10 =	sld [smem:$0x3FB4];
	_ =	sdelay $0x3  }
0x36: {  	p1 =	seq.s32 s10, $0x1;
	s10 =	sld [smem:$0x3FB5];
	_ =	sdelay $0x3  }
0x37: {  	[smem:$0x3FB5] =	sst s10  }
0x38: {  	s10 =	sld [smem:$0x3FB6]  }
0x39: {  	_ = 	snop;
	(pc) =	sbr.ind lr, $3  }
0x3a: {  	_ = 	snop  }
0x3b: {  	_ = 	snop  }
0x3c: {  	p2 =	seq.s32 s10, $0x1;
	s10 =	sld [smem:$0x3FB5]  }
0x3d: {  	_ =	shalt  }
0x3e: {  	_ =	shalt  }
0x3f: {  	_ =	shalt  }
0x40: {  	_ =	shalt  }
0x41: {  	_ =	shalt  }
0x42: {  	_ =	shalt  }
0x43: {  	_ =	shalt  }
0x44: {  	_ =	shalt  }
0x45: {  	_ =	shalt  }
0x46: {  	_ =	shalt  }
0x47: {  	_ =	shalt  }
0x48: {  	_ =	shalt  }
0x49: {  	_ =	shalt  }
0x4a: {  	_ =	shalt  }
0x4b: {  	_ =	shalt  }
0x4c: {  	_ =	shalt  }
0x4d: {  	_ =	shalt  }
0x4e: {  	_ =	shalt  }
0x4f: {  	_ =	shalt  }
0x50: {  	_ =	shalt  }
0x51: {  	_ =	shalt  }
0x52: {  	_ =	shalt  }
0x53: {  	_ =	shalt  }
0x54: {  	_ =	shalt  }
0x55: {  	_ =	shalt  }
0x56: {  	_ =	shalt  }
0x57: {  	_ =	shalt  }
0x58: {  	_ =	shalt  }
0x59: {  	_ =	shalt  }
0x5a: {  	_ =	shalt  }
0x5b: {  	_ =	shalt  }
0x5c: {  	_ =	shalt  }
0x5d: {  	_ =	shalt  }
0x5e: {  	_ =	shalt  }
0x5f: {  	_ =	shalt  }
0x60: {  	_ =	shalt  }
0x61: {  	_ =	shalt  }
0x62: {  	_ =	shalt  }
0x63: {  	_ =	shalt  }
0x64: {  	_ =	shalt  }
0x65: {  	_ =	shalt  }
0x66: {  	_ =	shalt  }
0x67: {  	_ =	shalt  }
0x68: {  	_ =	shalt  }
0x69: {  	_ =	shalt  }
0x6a: {  	_ =	shalt  }
0x6b: {  	_ =	shalt  }
0x6c: {  	_ =	shalt  }
0x6d: {  	_ =	shalt  }
0x6e: {  	_ =	shalt  }
0x6f: {  	_ =	shalt  }
0x70: {  	_ =	shalt  }
0x71: {  	_ =	shalt  }
0x72: {  	_ =	shalt  }
0x73: {  	_ =	shalt  }
0x74: {  	_ =	shalt  }
0x75: {  	_ =	shalt  }
0x76: {  	_ =	shalt  }
0x77: {  	_ =	shalt  }
0x78: {  	_ =	shalt  }
0x79: {  	_ =	shalt  }
0x7a: {  	_ =	shalt  }
0x7b: {  	_ =	shalt  }
0x7c: {  	_ =	shalt  }
0x7d: {  	_ =	shalt  }
0x7e: {  	_ =	shalt  }
0x7f: {  	_ =	shalt  }
0x80: {  	_ =	shalt  }
0x81: {  	_ =	shalt  }
0x82: {  	_ =	shalt  }
0x83: {  	_ =	shalt  }
0x84: {  	_ =	shalt  }
0x85: {  	_ =	shalt  }
0x86: {  	_ =	shalt  }
0x87: {  	_ =	shalt  }
.Lfunc_end0:
.L_simem_size_0:
called_computation_lowered:
.L_overlay_start_0:
0x88: {  	s2 =	sld [smem:$0x3FD9]  }
0x89: {  	s3 =	sld [smem:$0x3FFE];
	_ =	sdelay $0x1  }
0x8a: {  	s1 =	srdreg.scid  }
0x8b: {  	s0 =	sand.u32 $0x1, s1  }
0x8c: {  	s17 =	sshll.u32 s0, $0xA;
	s2 =	sadd.s32 s3, s2  }
0x8d: {  	s2 =	sadd.s32 s2, s17  }
0x8e: {  	[smem:$0x3FC1] =	sst s2  }
0x8f: {  	_ = 	snop  }
0x90: {  	s2 =	sld [smem:$0x3FC9]  }
0x91: {  	s18 =	sld [smem:$0x3FC8]  }
0x92: {  	s4 =	sld [smem:$0x3FC7];
	(tm) =	ssettm $0x1  }
0x93: {  	s5 =	sld [smem:$0x3FFB];
	_ =	sdelay $0x3  }
0x94: {  	_ =	strace s5  }
0x95: {  	s5 =	sld [smem:$0x3FFC];
	_ =	sdelay $0x3  }
0x96: {  	_ =	strace s5  }
0x97: {  	s5 =	sld [smem:$0x3FFD];
	_ =	sdelay $0x3  }
0x98: {  	_ =	strace s5  }
0x99: {  	_ =	strace $0x8FFFFFFF  }
0x9a: {  	s19 =	sld [smem:$0x3FDB];
	_ =	sdelay $0x1  }
0x9b: {  	s6 =	simm.s32 $_scs_section_size  }
0x9c: {  	s7 =	simm.s32 $_size__tile_overlayer_lowered;
	s8 =	simm.s32 $_tile_overlayer_lowered  }
0x9d: {  	s22 =	simm.s32 $0x1BFF;
	s21 =	sshll.u32 s8, $0x1;
	s5 =	sadd.s32 s6, s19  }
0x9e: {  	s9 =	simm.s32 $0x0;
	s20 =	sshll.u32 s7, $0x1;
	s7 =	sadd.s32 s21, s5  }
0x9f: {  	[timem:s9], [sflag:s22] =	dma.local [hbm:s7], s20  }
0xa0: {  	_ =	swait.ge [sflag:s22], s20  }
0xa1: {  	s6 =	ssub.s32 $0x0, s20;
	[sflag:s22] =	ssyncset.done $0x0  }
0xa2: {  	[sflag:s22] =	ssyncadd.s32 s6;
	_ =	sdelay $0x1  }
0xa3: {  	s23 =	simm.s32 $0x1B8B  }
0xa4: {  	_ =	swait.ge [sflag:s23], $0x1  }
0xa5: {  	[sflag:s23] =	ssyncset.done $0x0  }
0xa6: {  	s25 =	simm.s32 $0x1B8E;
	s24 =	sld [smem:$0x3FFE];
	[sflag:s23] =	ssyncadd.s32 $0xFFFFFFFF  }
0xa7: {  	s26 =	simm.s32 $execute0_lowered;
	[smem:$0x3FD2] =	sst s25  }
0xa8: {  	s7 =	sshll.u32 s26, $0x1;
	_ =	strace $0x80000046;
	[dreg:$0x1] =	wrdreg $0xFFFFFFFF  }
0xa9: {  	s28 =	simm.s32 $_size_execute0_lowered;
	s5 =	sadd.s32 s5, s7;
	[dreg:$0x0] =	wrdreg $0x0  }
0xaa: {  	s7 =	sshll.u32 s28, $0x1;
	[dreg:$0x2] =	wrdreg s5  }
0xab: {  	[dreg:$0x3] =	wrdreg s7  }
0xac: {  	[dreg:$0x4] =	wrdreg $0xC0  }
0xad: {  	_ =	task [dreg:s9], $0x5FFFF  }
0xae: {  	[dreg:$0x1] =	wrdreg $0xFFFFFFFF  }
0xaf: {  	[dreg:$0x0] =	wrdreg $0x60  }
0xb0: {  	[dreg:$0x2] =	wrdreg s2  }
0xb1: {  	[dreg:$0x3] =	wrdreg s18  }
0xb2: {  	[dreg:$0x4] =	wrdreg s4  }
0xb3: {  	[dreg:$0x5] =	wrdreg s24  }
0xb4: {  	[dreg:$0x6] =	wrdreg $0x9  }
0xb5: {  	_ =	task.clear_ibuf [dreg:s9], $0x7FFFF;
	_ =	strace $0x90000046  }
0xb6: {  	s29 =	simm.s32 $0x9;
	_ =	strace $0x80000048  }
0xb7: {  	_ =	swait.ge [sflag:s29], $0x1  }
0xb8: {  	[sflag:s29] =	ssyncadd.s32 $0xFFFFFFFF  }
0xb9: {  	_ =	strace $0x90000048  }
0xba: {  	_ =	sfence  }
0xbb: {  	s30 =	sld [smem:$0x0];
	_ =	sdelay $0x2  }
0xbc: {  	s31 =	sshll.u32 s1, $0xD;
	s1 =	sshrl.u32 s1, $0x2  }
0xbd: {  	s3 =	sand.u32 $0x4000, s31;
	s1 =	sadd.s32 s1, s30  }
0xbe: {  	s0 =	sor.u32 s3, s0;
	s1 =	sshll.u32 s1, $0x11  }
0xbf: {  	s0 =	sor.u32 s1, s0  }
0xc0: {  	s0 =	sadd.s32 $0x8F2B, s0  }
0xc1: {  	[sflag:s0] =	ssyncadd.remote.s32 $0x1  }
0xc2: {  	_ =	sfence.sel $0xFFFF  }
0xc3: {  	[dreg:$0x0] =	wrdreg $0xFFFFFFFF;
	(pc) =	sbr.abs _section_cstart, $3  }
0xc4: {  	[dreg:$0x1] =	wrdreg $0xFFFFFFFF  }
0xc5: {  	_ =	task.clear_ibuf [dreg:s9], $0x2FFFF;
	_ =	strace $0x9FFFFFFF  }
0xc6: {  	(tm) =	ssettm $0x7FFFFFFF  }
0xc7: {  	_ =	shalt  }
tec
execute0_lowered:
.L_overlay_start_1:
0x0: {  	(tag) =	ssettag $0x1  }
0x1: {  	s0 =	rddreg [dreg:$0x0]  }
0x2: {  	s1 =	rddreg [dreg:$0x1]  }
0x3: {  	s3 =	rddreg [dreg:$0x2]  }
0x4: {  	s4 =	rddreg [dreg:$0x3]  }
0x5: {  	s2 =	srdreg.scid;
	s16 =	stileid.u32;
	s19 =	simm.s32 $0x1800  }
0x6: {  	s20 =	simm.s32 $0x280;
	s21 =	simm.s32 $0x5800;
	s22 =	simm.s32 $0x480  }
0x7: {  	s23 =	simm.s32 $0x9800;
	s18 =	simm.s32 $0x2800;
	s28 =	simm.s32 $0x380  }
0x8: {  	p0 =	por $0x0, $0x0;
	s5 =	sand.u32 $0x1, s2;
	s2 =	simm.s32 $0x0  }
0x9: {  	s29 =	simm.s32 $0x7800;
	s30 =	simm.s32 $0x580;
	[smem:$0x7FF] =	sst s2  }
0xa: {  	s31 =	simm.s32 $0xB800;
	_ =	strace $0x80000047;
	[dreg:$0xd] =	wrdreg s19  }
0xb: {  	s6 =	sshll.u32 s16, $0xA;
	s8 =	sadd.s32 $0x1314200, s4;
	[dreg:$0xe] =	wrdreg s20  }
0xc: {  	s9 =	sadd.s32 $0xF43800, s4;
	s7 =	sshll.u32 s5, $0x9;
	[dreg:$0xf] =	wrdreg s21  }
0xd: {  	s5 =	ssub.s32 $0x2, s5;
	s6 =	sor.u32 s7, s6;
	[dreg:$0x10] =	wrdreg s22  }
0xe: {  	s12 =	sshrl.u32 s5, $0x1;
	[dreg:$0x11] =	wrdreg s23;
	s19 =	simm.s32 $0x300  }
0xf: {  	s22 =	simm.s32 $0xA800;
	s23 =	simm.s32 $0x700;
	s20 =	simm.s32 $0x780  }
0x10: {  	s7 =	sshrl.u32 s6, $0x3;
	s25 =	sshll.u32 s6, $0x2;
	s14 =	ssub.s32 s5, s12  }
0x11: {  	s12 =	simm.s32 $0x80;
	s5 =	simm.s32 $0x8800;
	s10 =	sadd.s32 s7, s4  }
0x12: {  	s0 =	sadd.s32 s0, s7;
	s24 =	sadd.s32 s1, s7;
	s26 =	sadd.s32 s3, s7  }
0x13: {  	s1 =	sadd.s32 s25, s4;
	s7 =	sadd.s32 s6, s4;
	[dreg:$0x5] =	wrdreg s0  }
0x14: {  	s17 =	smax.u32 s14, $0x1;
	s14 =	simm.s32 $0x400;
	[dreg:$0x6] =	wrdreg s24  }
0x15: {  	s6 =	simm.s32 $0x4800;
	s25 =	simm.s32 $0xCC00;
	[dreg:$0x7] =	wrdreg s26  }
0x16: {  	s3 =	sadd.s32 $0xC00, s10;
	s10 =	sadd.s32 $0x43E00, s1;
	s11 =	sadd.s32 $0x33E00, s1  }
0x17: {  	s13 =	sadd.s32 $0x23E00, s1;
	s15 =	sadd.s32 $0x1FE00, s7;
	[dreg:$0x13] =	wrdreg s25  }
0x18: {  	s7 =	simm.s32 $0x800;
	s24 =	simm.s32 $0x680;
	[dreg:$0x8] =	wrdreg s3  }
0x19: {  	s26 =	simm.s32 $0x100;
	s25 =	simm.s32 $0x180;
	[dreg:$0x9] =	wrdreg s10  }
0x1a: {  	p1 =	sne.s32 s17, $0x1;
	s0 =	sadd.s32 $0xFFFFFFFF, s17;
	[dreg:$0xa] =	wrdreg s11  }
.Ltmp0:
0x1b: {  	s17 =	simm.s32 $0xD400;
	[dreg:$0xb] =	wrdreg s13;
	(pc) =	sbr.rel @!p1 .LBB2_1-.Ltmp0, $4  }
0x1c: {  	s11 =	sadd.s32 $0x1400, s4;
	[dreg:$0xc] =	wrdreg s15;
	s3 =	simm.s32 $0x2  }
0x1d: {  	s13 =	simm.s32 $0x200;
	s15 =	simm.s32 $0x600;
	[dreg:$0x12] =	wrdreg s24  }
0x1e: {  	s4 =	simm.s32 $0xC800;
	[dreg:$0x14] =	wrdreg s26;
	s24 =	simm.s32 $0xD000  }
0x1f: {  	s26 =	simm.s32 $0x3800;
	s10 =	simm.s32 $0x1;
	s1 =	rddreg [dreg:$0x5]  }
0x20: {  	[tilespmem:s2], [sflag:$0x2] =	stream.linear.gather [hbm4b:s1+s2], $0x200, $0x38;
	[tilespmem:$0xD800] =	vst v63  }
0x21: {  	_ =	swait.ge [sflag:s3], $0x200  }
0x22: {  	[sflag:s3] =	ssyncset.done $0x0  }
0x23: {  	s21 =	rddreg [dreg:$0x6];
	[sflag:s3] =	ssyncadd.s32 $0xFFFFFE00  }
0x24: {  	[tilespmem:s13], [sflag:$0x2] =	stream.linear.gather [hbm4b:s21+s2], $0x200, $0x38;
	[tilespmem:$0xD800] =	vst v63  }
0x25: {  	_ =	swait.ge [sflag:s3], $0x200  }
0x26: {  	[sflag:s3] =	ssyncset.done $0x0  }
0x27: {  	s16 =	rddreg [dreg:$0x7];
	[sflag:s3] =	ssyncadd.s32 $0xFFFFFE00  }
0x28: {  	[tilespmem:s14], [sflag:$0x2] =	stream.linear.gather [hbm4b:s16+s2], $0x200, $0x38;
	[tilespmem:$0xD800] =	vst v63  }
0x29: {  	_ =	swait.ge [sflag:s3], $0x200  }
0x2a: {  	[sflag:s3] =	ssyncset.done $0x0  }
0x2b: {  	s21 =	rddreg [dreg:$0x8];
	[sflag:s3] =	ssyncadd.s32 $0xFFFFFE00  }
0x2c: {  	[tilespmem:s15], [sflag:$0x2] =	stream.linear.gather [hbm4b:s21+s2], $0x200, $0x38;
	[tilespmem:$0xD800] =	vst v63  }
0x2d: {  	_ =	swait.ge [sflag:s3], $0x200  }
0x2e: {  	[sflag:s3] =	ssyncset.done $0x0  }
0x2f: {  	s21 =	rddreg [dreg:$0x11];
	[sflag:s3] =	ssyncadd.s32 $0xFFFFFE00  }
0x30: {  	[tilespmem:s7], [sflag:$0x1] =	stream.indirect.gather [hbm4b:s8+s12], $0x20, s2, s12, $0xb8;
	[tilespmem:$0xD800] =	vst v63  }
0x31: {  	s16 =	rddreg [dreg:$0xf]  }
0x32: {  	[tilespmem:s6], [sflag:$0x1] =	stream.indirect.gather [hbm4b:s9+s12], $0x20, s13, s12, $0xb8;
	[tilespmem:$0xD800] =	vst v63  }
0x33: {  	s1 =	rddreg [dreg:$0xe]  }
0x34: {  	[tilespmem:s5], [sflag:$0x1] =	stream.indirect.gather [hbm4b:s9+s12], $0x20, s14, s12, $0xb8;
	[tilespmem:$0xD800] =	vst v63  }
0x35: {  	[dreg:$0x15] =	wrdreg s16  }
0x36: {  	[tilespmem:s4], [sflag:$0x1] =	stream.indirect.gather [hbm4b:s11+s12], $0x8, s15, s12, $0xb8;
	[tilespmem:$0xD800] =	vst v63  }
0x37: {  	s16 =	smov.u32 s0;
	s0 =	rddreg [dreg:$0xd]  }
0x38: {  	[tilespmem:s0], [sflag:$0x1] =	stream.indirect.gather [hbm4b:s8+s12], $0x20, s12, s12, $0xb8;
	[tilespmem:$0xD800] =	vst v63  }
0x39: {  	s0 =	rddreg [dreg:$0x10]  }
0x3a: {  	[dreg:$0x17] =	wrdreg s0  }
0x3b: {  	s0 =	rddreg [dreg:$0x15]  }
0x3c: {  	[tilespmem:s0], [sflag:$0x1] =	stream.indirect.gather [hbm4b:s9+s12], $0x20, s1, s12, $0xb8;
	[tilespmem:$0xD800] =	vst v63  }
0x3d: {  	s1 =	rddreg [dreg:$0x13]  }
0x3e: {  	s0 =	rddreg [dreg:$0x17]  }
0x3f: {  	[dreg:$0x16] =	wrdreg s1  }
0x40: {  	s1 =	rddreg [dreg:$0x12]  }
0x41: {  	[tilespmem:s21], [sflag:$0x1] =	stream.indirect.gather [hbm4b:s9+s12], $0x20, s0, s12, $0xb8;
	[tilespmem:$0xD800] =	vst v63  }
0x42: {  	s21 =	rddreg [dreg:$0x16]  }
0x43: {  	[tilespmem:s21], [sflag:$0x1] =	stream.indirect.gather [hbm4b:s11+s12], $0x8, s1, s12, $0xb8;
	[tilespmem:$0xD800] =	vst v63  }
0x44: {  	s0 =	rddreg [dreg:$0x14]  }
0x45: {  	[tilespmem:s18], [sflag:$0x1] =	stream.indirect.gather [hbm4b:s8+s12], $0x20, s0, s12, $0xb8;
	[tilespmem:$0xD800] =	vst v63  }
0x46: {  	s21 =	simm.s32 $0x6800  }
0x47: {  	[tilespmem:s21], [sflag:$0x1] =	stream.indirect.gather [hbm4b:s9+s12], $0x20, s19, s12, $0xb8;
	[tilespmem:$0xD800] =	vst v63  }
0x48: {  	s1 =	simm.s32 $0x500  }
0x49: {  	[tilespmem:s22], [sflag:$0x1] =	stream.indirect.gather [hbm4b:s9+s12], $0x20, s1, s12, $0xb8;
	[tilespmem:$0xD800] =	vst v63  }
0x4a: {  	_ = 	snop  }
0x4b: {  	[tilespmem:s24], [sflag:$0x1] =	stream.indirect.gather [hbm4b:s11+s12], $0x8, s23, s12, $0xb8;
	[tilespmem:$0xD800] =	vst v63  }
0x4c: {  	_ = 	snop  }
0x4d: {  	[tilespmem:s26], [sflag:$0x1] =	stream.indirect.gather [hbm4b:s8+s12], $0x20, s25, s12, $0xb8;
	[tilespmem:$0xD800] =	vst v63  }
0x4e: {  	_ = 	snop  }
0x4f: {  	[tilespmem:s29], [sflag:$0x1] =	stream.indirect.gather [hbm4b:s9+s12], $0x20, s28, s12, $0xb8;
	[tilespmem:$0xD800] =	vst v63  }
0x50: {  	_ = 	snop  }
0x51: {  	[tilespmem:s31], [sflag:$0x1] =	stream.indirect.gather [hbm4b:s9+s12], $0x20, s30, s12, $0xb8;
	[tilespmem:$0xD800] =	vst v63  }
0x52: {  	_ = 	snop  }
0x53: {  	[tilespmem:s17], [sflag:$0x1] =	stream.indirect.gather [hbm4b:s11+s12], $0x8, s20, s12, $0xb8;
	[tilespmem:$0xD800] =	vst v63  }
0x54: {  	_ =	swait.ge [sflag:s10], $0x1000  }
0x55: {  	[sflag:s10] =	ssyncset.done $0x0  }
0x56: {  	[sflag:s10] =	ssyncadd.s32 $0xFFFFF000  }
0x57: {  	_ =	swait.ge [sflag:s10], $0x1000  }
0x58: {  	[sflag:s10] =	ssyncset.done $0x0  }
0x59: {  	[sflag:s10] =	ssyncadd.s32 $0xFFFFF000  }
0x5a: {  	_ =	swait.ge [sflag:s10], $0x1000  }
0x5b: {  	[sflag:s10] =	ssyncset.done $0x0  }
0x5c: {  	[sflag:s10] =	ssyncadd.s32 $0xFFFFF000  }
0x5d: {  	_ =	swait.ge [sflag:s10], $0x400  }
0x5e: {  	[sflag:s10] =	ssyncset.done $0x0  }
0x5f: {  	[sflag:s10] =	ssyncadd.s32 $0xFFFFFC00  }
0x60: {  	_ =	swait.ge [sflag:s10], $0x1000  }
0x61: {  	[sflag:s10] =	ssyncset.done $0x0  }
0x62: {  	[sflag:s10] =	ssyncadd.s32 $0xFFFFF000  }
0x63: {  	_ =	swait.ge [sflag:s10], $0x1000  }
0x64: {  	[sflag:s10] =	ssyncset.done $0x0  }
0x65: {  	[sflag:s10] =	ssyncadd.s32 $0xFFFFF000  }
0x66: {  	_ =	swait.ge [sflag:s10], $0x1000  }
0x67: {  	[sflag:s10] =	ssyncset.done $0x0  }
0x68: {  	[sflag:s10] =	ssyncadd.s32 $0xFFFFF000  }
0x69: {  	_ =	swait.ge [sflag:s10], $0x400  }
0x6a: {  	[sflag:s10] =	ssyncset.done $0x0  }
0x6b: {  	[sflag:s10] =	ssyncadd.s32 $0xFFFFFC00  }
0x6c: {  	_ =	swait.ge [sflag:s10], $0x1000  }
0x6d: {  	[sflag:s10] =	ssyncset.done $0x0  }
0x6e: {  	[sflag:s10] =	ssyncadd.s32 $0xFFFFF000  }
0x6f: {  	_ =	swait.ge [sflag:s10], $0x1000  }
0x70: {  	[sflag:s10] =	ssyncset.done $0x0  }
0x71: {  	[sflag:s10] =	ssyncadd.s32 $0xFFFFF000  }
0x72: {  	_ =	swait.ge [sflag:s10], $0x1000  }
0x73: {  	[sflag:s10] =	ssyncset.done $0x0  }
0x74: {  	[sflag:s10] =	ssyncadd.s32 $0xFFFFF000  }
0x75: {  	_ =	swait.ge [sflag:s10], $0x400  }
0x76: {  	[sflag:s10] =	ssyncset.done $0x0  }
0x77: {  	[sflag:s10] =	ssyncadd.s32 $0xFFFFFC00  }
0x78: {  	_ =	swait.ge [sflag:s10], $0x1000  }
0x79: {  	[sflag:s10] =	ssyncset.done $0x0  }
0x7a: {  	[sflag:s10] =	ssyncadd.s32 $0xFFFFF000  }
0x7b: {  	_ =	swait.ge [sflag:s10], $0x1000  }
0x7c: {  	[sflag:s10] =	ssyncset.done $0x0  }
0x7d: {  	[sflag:s10] =	ssyncadd.s32 $0xFFFFF000  }
0x7e: {  	_ =	swait.ge [sflag:s10], $0x1000  }
0x7f: {  	[sflag:s10] =	ssyncset.done $0x0  }
0x80: {  	[sflag:s10] =	ssyncadd.s32 $0xFFFFF000  }
0x81: {  	_ =	swait.ge [sflag:s10], $0x400  }
0x82: {  	[sflag:s10] =	ssyncset.done $0x0  }
0x83: {  	s21 =	rddreg [dreg:$0x9];
	[sflag:s10] =	ssyncadd.s32 $0xFFFFFC00  }
0x84: {  	[hbm4b:s21+s2] =	stream.linear.scatter [tilespmem:s7], [sflag:$0x2], $0x4000, $0x38;
	[tilespmem:$0xD800] =	vst v63  }
0x85: {  	_ =	swait.ge [sflag:s3], $0x4000  }
0x86: {  	[sflag:s3] =	ssyncset.done $0x0  }
0x87: {  	s1 =	rddreg [dreg:$0xa];
	[sflag:s3] =	ssyncadd.s32 $0xFFFFC000  }
0x88: {  	[hbm4b:s1+s2] =	stream.linear.scatter [tilespmem:s6], [sflag:$0x2], $0x4000, $0x38;
	[tilespmem:$0xD800] =	vst v63  }
0x89: {  	_ =	swait.ge [sflag:s3], $0x4000  }
0x8a: {  	[sflag:s3] =	ssyncset.done $0x0  }
0x8b: {  	s17 =	rddreg [dreg:$0xb];
	[sflag:s3] =	ssyncadd.s32 $0xFFFFC000  }
0x8c: {  	[hbm4b:s17+s2] =	stream.linear.scatter [tilespmem:s5], [sflag:$0x2], $0x4000, $0x38;
	[tilespmem:$0xD800] =	vst v63  }
0x8d: {  	p1 =	sne.s32 s16, $0x1;
	_ =	swait.ge [sflag:s3], $0x4000  }
.Ltmp1:
0x8e: {  	[sflag:s3] =	ssyncset.done $0x0;
	(pc) =	sbr.rel @!p1 .LBB2_3-.Ltmp1, $4  }
0x8f: {  	s21 =	rddreg [dreg:$0xc];
	[sflag:s3] =	ssyncadd.s32 $0xFFFFC000  }
0x90: {  	[hbm4b:s21+s2] =	stream.linear.scatter [tilespmem:s4], [sflag:$0x2], $0x1000, $0x38;
	[tilespmem:$0xD800] =	vst v63  }
0x91: {  	p0 =	por $0x1, $0x1;
	s0 =	sadd.s32 $0xFFFFFFFF, s16;
	_ =	swait.ge [sflag:s3], $0x1000  }
0x92: {  	s21 =	simm.s32 $0xD400;
	s1 =	rddreg [dreg:$0x5];
	[sflag:s3] =	ssyncset.done $0x0  }
.LBB2_4:
0x93: {  	[sflag:s3] =	ssyncadd.s32 $0xFFFFF000  }
0x94: {  	[tilespmem:s2], [sflag:$0x2] =	stream.linear.gather [hbm4b:s1+s2], $0x200, $0x38;
	[tilespmem:$0xD800] =	vst v63  }
0x95: {  	_ =	swait.ge [sflag:s3], $0x200  }
0x96: {  	[sflag:s3] =	ssyncset.done $0x0  }
0x97: {  	s17 =	rddreg [dreg:$0x6];
	[sflag:s3] =	ssyncadd.s32 $0xFFFFFE00  }
0x98: {  	[tilespmem:s13], [sflag:$0x2] =	stream.linear.gather [hbm4b:s17+s2], $0x200, $0x38;
	[tilespmem:$0xD800] =	vst v63  }
0x99: {  	_ =	swait.ge [sflag:s3], $0x200  }
0x9a: {  	[sflag:s3] =	ssyncset.done $0x0  }
0x9b: {  	s18 =	rddreg [dreg:$0x7];
	[sflag:s3] =	ssyncadd.s32 $0xFFFFFE00  }
0x9c: {  	[tilespmem:s14], [sflag:$0x2] =	stream.linear.gather [hbm4b:s18+s2], $0x200, $0x38;
	[tilespmem:$0xD800] =	vst v63  }
0x9d: {  	_ =	swait.ge [sflag:s3], $0x200  }
0x9e: {  	[sflag:s3] =	ssyncset.done $0x0  }
0x9f: {  	s19 =	rddreg [dreg:$0x8];
	[sflag:s3] =	ssyncadd.s32 $0xFFFFFE00  }
0xa0: {  	[tilespmem:s15], [sflag:$0x2] =	stream.linear.gather [hbm4b:s19+s2], $0x200, $0x38;
	[tilespmem:$0xD800] =	vst v63  }
0xa1: {  	_ =	swait.ge [sflag:s3], $0x200  }
0xa2: {  	[sflag:s3] =	ssyncset.done $0x0  }
0xa3: {  	[sflag:s3] =	ssyncadd.s32 $0xFFFFFE00  }
0xa4: {  	[tilespmem:s7], [sflag:$0x1] =	stream.indirect.gather [hbm4b:s8+s12], $0x20, s2, s12, $0xb8;
	[tilespmem:$0xD800] =	vst v63  }
0xa5: {  	s1 =	rddreg [dreg:$0x13]  }
0xa6: {  	[tilespmem:s6], [sflag:$0x1] =	stream.indirect.gather [hbm4b:s9+s12], $0x20, s13, s12, $0xb8;
	[tilespmem:$0xD800] =	vst v63  }
0xa7: {  	s16 =	rddreg [dreg:$0x11]  }
0xa8: {  	[tilespmem:s5], [sflag:$0x1] =	stream.indirect.gather [hbm4b:s9+s12], $0x20, s14, s12, $0xb8;
	[tilespmem:$0xD800] =	vst v63  }
0xa9: {  	s17 =	rddreg [dreg:$0xf]  }
0xaa: {  	[tilespmem:s4], [sflag:$0x1] =	stream.indirect.gather [hbm4b:s11+s12], $0x8, s15, s12, $0xb8;
	[tilespmem:$0xD800] =	vst v63  }
0xab: {  	s18 =	rddreg [dreg:$0xd]  }
0xac: {  	[tilespmem:s18], [sflag:$0x1] =	stream.indirect.gather [hbm4b:s8+s12], $0x20, s12, s12, $0xb8;
	[tilespmem:$0xD800] =	vst v63  }
0xad: {  	s19 =	rddreg [dreg:$0xe]  }
0xae: {  	[tilespmem:s17], [sflag:$0x1] =	stream.indirect.gather [hbm4b:s9+s12], $0x20, s19, s12, $0xb8;
	[tilespmem:$0xD800] =	vst v63  }
0xaf: {  	s18 =	rddreg [dreg:$0x10]  }
0xb0: {  	[tilespmem:s16], [sflag:$0x1] =	stream.indirect.gather [hbm4b:s9+s12], $0x20, s18, s12, $0xb8;
	[tilespmem:$0xD800] =	vst v63  }
0xb1: {  	s17 =	rddreg [dreg:$0x12]  }
0xb2: {  	[tilespmem:s1], [sflag:$0x1] =	stream.indirect.gather [hbm4b:s11+s12], $0x8, s17, s12, $0xb8;
	[tilespmem:$0xD800] =	vst v63  }
0xb3: {  	s18 =	simm.s32 $0x2800;
	s16 =	rddreg [dreg:$0x14]  }
0xb4: {  	[tilespmem:s18], [sflag:$0x1] =	stream.indirect.gather [hbm4b:s8+s12], $0x20, s16, s12, $0xb8;
	[tilespmem:$0xD800] =	vst v63  }
0xb5: {  	s19 =	simm.s32 $0x300;
	s16 =	simm.s32 $0x6800  }
0xb6: {  	[tilespmem:s16], [sflag:$0x1] =	stream.indirect.gather [hbm4b:s9+s12], $0x20, s19, s12, $0xb8;
	[tilespmem:$0xD800] =	vst v63  }
0xb7: {  	s17 =	simm.s32 $0x500  }
0xb8: {  	[tilespmem:s22], [sflag:$0x1] =	stream.indirect.gather [hbm4b:s9+s12], $0x20, s17, s12, $0xb8;
	[tilespmem:$0xD800] =	vst v63  }
0xb9: {  	_ = 	snop  }
0xba: {  	[tilespmem:s24], [sflag:$0x1] =	stream.indirect.gather [hbm4b:s11+s12], $0x8, s23, s12, $0xb8;
	[tilespmem:$0xD800] =	vst v63  }
0xbb: {  	_ = 	snop  }
0xbc: {  	[tilespmem:s26], [sflag:$0x1] =	stream.indirect.gather [hbm4b:s8+s12], $0x20, s25, s12, $0xb8;
	[tilespmem:$0xD800] =	vst v63  }
0xbd: {  	_ = 	snop  }
0xbe: {  	[tilespmem:s29], [sflag:$0x1] =	stream.indirect.gather [hbm4b:s9+s12], $0x20, s28, s12, $0xb8;
	[tilespmem:$0xD800] =	vst v63  }
0xbf: {  	_ = 	snop  }
0xc0: {  	[tilespmem:s31], [sflag:$0x1] =	stream.indirect.gather [hbm4b:s9+s12], $0x20, s30, s12, $0xb8;
	[tilespmem:$0xD800] =	vst v63  }
0xc1: {  	_ = 	snop  }
0xc2: {  	[tilespmem:s21], [sflag:$0x1] =	stream.indirect.gather [hbm4b:s11+s12], $0x8, s20, s12, $0xb8;
	[tilespmem:$0xD800] =	vst v63  }
0xc3: {  	_ =	swait.ge [sflag:s10], $0x1000  }
0xc4: {  	[sflag:s10] =	ssyncset.done $0x0  }
0xc5: {  	[sflag:s10] =	ssyncadd.s32 $0xFFFFF000  }
0xc6: {  	_ =	swait.ge [sflag:s10], $0x1000  }
0xc7: {  	[sflag:s10] =	ssyncset.done $0x0  }
0xc8: {  	[sflag:s10] =	ssyncadd.s32 $0xFFFFF000  }
0xc9: {  	_ =	swait.ge [sflag:s10], $0x1000  }
0xca: {  	[sflag:s10] =	ssyncset.done $0x0  }
0xcb: {  	[sflag:s10] =	ssyncadd.s32 $0xFFFFF000  }
0xcc: {  	_ =	swait.ge [sflag:s10], $0x400  }
0xcd: {  	[sflag:s10] =	ssyncset.done $0x0  }
0xce: {  	[sflag:s10] =	ssyncadd.s32 $0xFFFFFC00  }
0xcf: {  	_ =	swait.ge [sflag:s10], $0x1000  }
0xd0: {  	[sflag:s10] =	ssyncset.done $0x0  }
0xd1: {  	[sflag:s10] =	ssyncadd.s32 $0xFFFFF000  }
0xd2: {  	_ =	swait.ge [sflag:s10], $0x1000  }
0xd3: {  	[sflag:s10] =	ssyncset.done $0x0  }
0xd4: {  	[sflag:s10] =	ssyncadd.s32 $0xFFFFF000  }
0xd5: {  	_ =	swait.ge [sflag:s10], $0x1000  }
0xd6: {  	[sflag:s10] =	ssyncset.done $0x0  }
0xd7: {  	[sflag:s10] =	ssyncadd.s32 $0xFFFFF000  }
0xd8: {  	_ =	swait.ge [sflag:s10], $0x400  }
0xd9: {  	[sflag:s10] =	ssyncset.done $0x0  }
0xda: {  	[sflag:s10] =	ssyncadd.s32 $0xFFFFFC00  }
0xdb: {  	_ =	swait.ge [sflag:s10], $0x1000  }
0xdc: {  	[sflag:s10] =	ssyncset.done $0x0  }
0xdd: {  	[sflag:s10] =	ssyncadd.s32 $0xFFFFF000  }
0xde: {  	_ =	swait.ge [sflag:s10], $0x1000  }
0xdf: {  	[sflag:s10] =	ssyncset.done $0x0  }
0xe0: {  	[sflag:s10] =	ssyncadd.s32 $0xFFFFF000  }
0xe1: {  	_ =	swait.ge [sflag:s10], $0x1000  }
0xe2: {  	[sflag:s10] =	ssyncset.done $0x0  }
0xe3: {  	[sflag:s10] =	ssyncadd.s32 $0xFFFFF000  }
0xe4: {  	_ =	swait.ge [sflag:s10], $0x400  }
0xe5: {  	[sflag:s10] =	ssyncset.done $0x0  }
0xe6: {  	[sflag:s10] =	ssyncadd.s32 $0xFFFFFC00  }
0xe7: {  	_ =	swait.ge [sflag:s10], $0x1000  }
0xe8: {  	[sflag:s10] =	ssyncset.done $0x0  }
0xe9: {  	[sflag:s10] =	ssyncadd.s32 $0xFFFFF000  }
0xea: {  	_ =	swait.ge [sflag:s10], $0x1000  }
0xeb: {  	[sflag:s10] =	ssyncset.done $0x0  }
0xec: {  	[sflag:s10] =	ssyncadd.s32 $0xFFFFF000  }
0xed: {  	_ =	swait.ge [sflag:s10], $0x1000  }
0xee: {  	[sflag:s10] =	ssyncset.done $0x0  }
0xef: {  	[sflag:s10] =	ssyncadd.s32 $0xFFFFF000  }
0xf0: {  	_ =	swait.ge [sflag:s10], $0x400  }
0xf1: {  	[sflag:s10] =	ssyncset.done $0x0  }
0xf2: {  	s16 =	rddreg [dreg:$0x9];
	[sflag:s10] =	ssyncadd.s32 $0xFFFFFC00  }
0xf3: {  	[hbm4b:s16+s2] =	stream.linear.scatter [tilespmem:s7], [sflag:$0x2], $0x4000, $0x38;
	[tilespmem:$0xD800] =	vst v63  }
0xf4: {  	_ =	swait.ge [sflag:s3], $0x4000  }
0xf5: {  	[sflag:s3] =	ssyncset.done $0x0  }
0xf6: {  	s17 =	rddreg [dreg:$0xa];
	[sflag:s3] =	ssyncadd.s32 $0xFFFFC000  }
0xf7: {  	[hbm4b:s17+s2] =	stream.linear.scatter [tilespmem:s6], [sflag:$0x2], $0x4000, $0x38;
	[tilespmem:$0xD800] =	vst v63  }
0xf8: {  	_ =	swait.ge [sflag:s3], $0x4000  }
0xf9: {  	[sflag:s3] =	ssyncset.done $0x0  }
0xfa: {  	s16 =	rddreg [dreg:$0xb];
	[sflag:s3] =	ssyncadd.s32 $0xFFFFC000  }
0xfb: {  	[hbm4b:s16+s2] =	stream.linear.scatter [tilespmem:s5], [sflag:$0x2], $0x4000, $0x38;
	[tilespmem:$0xD800] =	vst v63  }
0xfc: {  	p1 =	sne.s32 s0, $0x1;
	_ =	swait.ge [sflag:s3], $0x4000  }
.Ltmp2:
0xfd: {  	[sflag:s3] =	ssyncset.done $0x0;
	(pc) =	sbr.rel @p1 .LBB2_4-.Ltmp2, $4  }
0xfe: {  	s17 =	rddreg [dreg:$0xc];
	[sflag:s3] =	ssyncadd.s32 $0xFFFFC000  }
0xff: {  	[hbm4b:s17+s2] =	stream.linear.scatter [tilespmem:s4], [sflag:$0x2], $0x1000, $0x38;
	[tilespmem:$0xD800] =	vst v63  }
0x100: {  	_ =	swait.ge [sflag:s3], $0x1000  }
0x101: {  	s0 =	sadd.s32 $0xFFFFFFFF, s0;
	s1 =	rddreg [dreg:$0x5];
	[sflag:s3] =	ssyncset.done $0x0  }
0x102: {  	s17 =	simm.s32 $0x780  }
0x103: {  	s31 =	simm.s32 $0xB800;
	s30 =	simm.s32 $0x580;
	s29 =	simm.s32 $0x7800  }
0x104: {  	s28 =	simm.s32 $0x380;
	s26 =	simm.s32 $0x3800;
	s25 =	simm.s32 $0x180  }
0x105: {  	s24 =	simm.s32 $0xD000;
	s23 =	simm.s32 $0x700;
	s22 =	simm.s32 $0xA800  }
0x106: {  	s21 =	simm.s32 $0x500;
	s20 =	simm.s32 $0x6800;
	s16 =	stileid.u32  }
.LBB2_6:
0x107: {  	[sflag:s3] =	ssyncadd.s32 @p0 $0xFFFFF000  }
0x108: {  	[tilespmem:s2], [sflag:$0x2] =	stream.linear.gather [hbm4b:s1+s2], $0x200, $0x38;
	[tilespmem:$0xD800] =	vst v63  }
0x109: {  	_ =	swait.ge [sflag:s3], $0x200  }
0x10a: {  	[sflag:s3] =	ssyncset.done $0x0  }
0x10b: {  	s0 =	rddreg [dreg:$0x6];
	[sflag:s3] =	ssyncadd.s32 $0xFFFFFE00  }
0x10c: {  	[tilespmem:s13], [sflag:$0x2] =	stream.linear.gather [hbm4b:s0+s2], $0x200, $0x38;
	[tilespmem:$0xD800] =	vst v63  }
0x10d: {  	_ =	swait.ge [sflag:s3], $0x200  }
0x10e: {  	[sflag:s3] =	ssyncset.done $0x0  }
0x10f: {  	s1 =	rddreg [dreg:$0x7];
	[sflag:s3] =	ssyncadd.s32 $0xFFFFFE00  }
0x110: {  	[tilespmem:s14], [sflag:$0x2] =	stream.linear.gather [hbm4b:s1+s2], $0x200, $0x38;
	[tilespmem:$0xD800] =	vst v63  }
0x111: {  	_ =	swait.ge [sflag:s3], $0x200  }
0x112: {  	[sflag:s3] =	ssyncset.done $0x0  }
0x113: {  	s1 =	rddreg [dreg:$0x8];
	[sflag:s3] =	ssyncadd.s32 $0xFFFFFE00  }
0x114: {  	[tilespmem:s15], [sflag:$0x2] =	stream.linear.gather [hbm4b:s1+s2], $0x200, $0x38;
	[tilespmem:$0xD800] =	vst v63  }
0x115: {  	_ =	swait.ge [sflag:s3], $0x200  }
0x116: {  	[sflag:s3] =	ssyncset.done $0x0  }
0x117: {  	[sflag:s3] =	ssyncadd.s32 $0xFFFFFE00  }
0x118: {  	[tilespmem:s7], [sflag:$0x1] =	stream.indirect.gather [hbm4b:s8+s12], $0x20, s2, s12, $0xb8;
	[tilespmem:$0xD800] =	vst v63  }
0x119: {  	s1 =	rddreg [dreg:$0x11]  }
0x11a: {  	[tilespmem:s6], [sflag:$0x1] =	stream.indirect.gather [hbm4b:s9+s12], $0x20, s13, s12, $0xb8;
	[tilespmem:$0xD800] =	vst v63  }
0x11b: {  	s13 =	rddreg [dreg:$0xd]  }
0x11c: {  	[tilespmem:s5], [sflag:$0x1] =	stream.indirect.gather [hbm4b:s9+s12], $0x20, s14, s12, $0xb8;
	[tilespmem:$0xD800] =	vst v63  }
0x11d: {  	s14 =	rddreg [dreg:$0xf]  }
0x11e: {  	[tilespmem:s4], [sflag:$0x1] =	stream.indirect.gather [hbm4b:s11+s12], $0x8, s15, s12, $0xb8;
	[tilespmem:$0xD800] =	vst v63  }
0x11f: {  	s15 =	rddreg [dreg:$0xe]  }
0x120: {  	[tilespmem:s13], [sflag:$0x1] =	stream.indirect.gather [hbm4b:s8+s12], $0x20, s12, s12, $0xb8;
	[tilespmem:$0xD800] =	vst v63  }
0x121: {  	s13 =	rddreg [dreg:$0x13]  }
0x122: {  	[tilespmem:s14], [sflag:$0x1] =	stream.indirect.gather [hbm4b:s9+s12], $0x20, s15, s12, $0xb8;
	[tilespmem:$0xD800] =	vst v63  }
0x123: {  	s15 =	rddreg [dreg:$0x10]  }
0x124: {  	[tilespmem:s1], [sflag:$0x1] =	stream.indirect.gather [hbm4b:s9+s12], $0x20, s15, s12, $0xb8;
	[tilespmem:$0xD800] =	vst v63  }
0x125: {  	s14 =	rddreg [dreg:$0x12]  }
0x126: {  	[tilespmem:s13], [sflag:$0x1] =	stream.indirect.gather [hbm4b:s11+s12], $0x8, s14, s12, $0xb8;
	[tilespmem:$0xD800] =	vst v63  }
0x127: {  	s15 =	rddreg [dreg:$0x14]  }
0x128: {  	[tilespmem:s18], [sflag:$0x1] =	stream.indirect.gather [hbm4b:s8+s12], $0x20, s15, s12, $0xb8;
	[tilespmem:$0xD800] =	vst v63  }
0x129: {  	_ = 	snop  }
0x12a: {  	[tilespmem:s20], [sflag:$0x1] =	stream.indirect.gather [hbm4b:s9+s12], $0x20, s19, s12, $0xb8;
	[tilespmem:$0xD800] =	vst v63  }
0x12b: {  	_ = 	snop  }
0x12c: {  	[tilespmem:s22], [sflag:$0x1] =	stream.indirect.gather [hbm4b:s9+s12], $0x20, s21, s12, $0xb8;
	[tilespmem:$0xD800] =	vst v63  }
0x12d: {  	_ = 	snop  }
0x12e: {  	[tilespmem:s24], [sflag:$0x1] =	stream.indirect.gather [hbm4b:s11+s12], $0x8, s23, s12, $0xb8;
	[tilespmem:$0xD800] =	vst v63  }
0x12f: {  	_ = 	snop  }
0x130: {  	[tilespmem:s26], [sflag:$0x1] =	stream.indirect.gather [hbm4b:s8+s12], $0x20, s25, s12, $0xb8;
	[tilespmem:$0xD800] =	vst v63  }
0x131: {  	_ = 	snop  }
0x132: {  	[tilespmem:s29], [sflag:$0x1] =	stream.indirect.gather [hbm4b:s9+s12], $0x20, s28, s12, $0xb8;
	[tilespmem:$0xD800] =	vst v63  }
0x133: {  	_ = 	snop  }
0x134: {  	[tilespmem:s31], [sflag:$0x1] =	stream.indirect.gather [hbm4b:s9+s12], $0x20, s30, s12, $0xb8;
	[tilespmem:$0xD800] =	vst v63  }
0x135: {  	s26 =	simm.s32 $0xD400  }
0x136: {  	[tilespmem:s26], [sflag:$0x1] =	stream.indirect.gather [hbm4b:s11+s12], $0x8, s17, s12, $0xb8;
	[tilespmem:$0xD800] =	vst v63  }
0x137: {  	_ =	swait.ge [sflag:s10], $0x1000  }
0x138: {  	[sflag:s10] =	ssyncset.done $0x0  }
0x139: {  	[sflag:s10] =	ssyncadd.s32 $0xFFFFF000  }
0x13a: {  	_ =	swait.ge [sflag:s10], $0x1000  }
0x13b: {  	[sflag:s10] =	ssyncset.done $0x0  }
0x13c: {  	[sflag:s10] =	ssyncadd.s32 $0xFFFFF000  }
0x13d: {  	_ =	swait.ge [sflag:s10], $0x1000  }
0x13e: {  	[sflag:s10] =	ssyncset.done $0x0  }
0x13f: {  	[sflag:s10] =	ssyncadd.s32 $0xFFFFF000  }
0x140: {  	_ =	swait.ge [sflag:s10], $0x400  }
0x141: {  	[sflag:s10] =	ssyncset.done $0x0  }
0x142: {  	[sflag:s10] =	ssyncadd.s32 $0xFFFFFC00  }
0x143: {  	_ =	swait.ge [sflag:s10], $0x1000  }
0x144: {  	[sflag:s10] =	ssyncset.done $0x0  }
0x145: {  	[sflag:s10] =	ssyncadd.s32 $0xFFFFF000  }
0x146: {  	_ =	swait.ge [sflag:s10], $0x1000  }
0x147: {  	[sflag:s10] =	ssyncset.done $0x0  }
0x148: {  	[sflag:s10] =	ssyncadd.s32 $0xFFFFF000  }
0x149: {  	_ =	swait.ge [sflag:s10], $0x1000  }
0x14a: {  	[sflag:s10] =	ssyncset.done $0x0  }
0x14b: {  	[sflag:s10] =	ssyncadd.s32 $0xFFFFF000  }
0x14c: {  	_ =	swait.ge [sflag:s10], $0x400  }
0x14d: {  	[sflag:s10] =	ssyncset.done $0x0  }
0x14e: {  	[sflag:s10] =	ssyncadd.s32 $0xFFFFFC00  }
0x14f: {  	_ =	swait.ge [sflag:s10], $0x1000  }
0x150: {  	[sflag:s10] =	ssyncset.done $0x0  }
0x151: {  	[sflag:s10] =	ssyncadd.s32 $0xFFFFF000  }
0x152: {  	_ =	swait.ge [sflag:s10], $0x1000  }
0x153: {  	[sflag:s10] =	ssyncset.done $0x0  }
0x154: {  	[sflag:s10] =	ssyncadd.s32 $0xFFFFF000  }
0x155: {  	_ =	swait.ge [sflag:s10], $0x1000  }
0x156: {  	[sflag:s10] =	ssyncset.done $0x0  }
0x157: {  	[sflag:s10] =	ssyncadd.s32 $0xFFFFF000  }
0x158: {  	_ =	swait.ge [sflag:s10], $0x400  }
0x159: {  	[sflag:s10] =	ssyncset.done $0x0  }
0x15a: {  	[sflag:s10] =	ssyncadd.s32 $0xFFFFFC00  }
0x15b: {  	_ =	swait.ge [sflag:s10], $0x1000  }
0x15c: {  	[sflag:s10] =	ssyncset.done $0x0  }
0x15d: {  	[sflag:s10] =	ssyncadd.s32 $0xFFFFF000  }
0x15e: {  	_ =	swait.ge [sflag:s10], $0x1000  }
0x15f: {  	[sflag:s10] =	ssyncset.done $0x0  }
0x160: {  	[sflag:s10] =	ssyncadd.s32 $0xFFFFF000  }
0x161: {  	_ =	swait.ge [sflag:s10], $0x1000  }
0x162: {  	[sflag:s10] =	ssyncset.done $0x0  }
0x163: {  	[sflag:s10] =	ssyncadd.s32 $0xFFFFF000  }
0x164: {  	_ =	swait.ge [sflag:s10], $0x400  }
0x165: {  	[sflag:s10] =	ssyncset.done $0x0  }
0x166: {  	s28 =	rddreg [dreg:$0x9];
	[sflag:s10] =	ssyncadd.s32 $0xFFFFFC00  }
0x167: {  	[hbm4b:s28+s2] =	stream.linear.scatter [tilespmem:s7], [sflag:$0x2], $0x4000, $0x38;
	[tilespmem:$0xD800] =	vst v63  }
0x168: {  	_ =	swait.ge [sflag:s3], $0x4000  }
0x169: {  	[sflag:s3] =	ssyncset.done $0x0  }
0x16a: {  	s29 =	rddreg [dreg:$0xa];
	[sflag:s3] =	ssyncadd.s32 $0xFFFFC000  }
0x16b: {  	[hbm4b:s29+s2] =	stream.linear.scatter [tilespmem:s6], [sflag:$0x2], $0x4000, $0x38;
	[tilespmem:$0xD800] =	vst v63  }
0x16c: {  	_ =	swait.ge [sflag:s3], $0x4000  }
0x16d: {  	[sflag:s3] =	ssyncset.done $0x0  }
0x16e: {  	s30 =	rddreg [dreg:$0xb];
	[sflag:s3] =	ssyncadd.s32 $0xFFFFC000  }
0x16f: {  	[hbm4b:s30+s2] =	stream.linear.scatter [tilespmem:s5], [sflag:$0x2], $0x4000, $0x38;
	[tilespmem:$0xD800] =	vst v63  }
0x170: {  	_ =	swait.ge [sflag:s3], $0x4000  }
0x171: {  	[sflag:s3] =	ssyncset.done $0x0  }
0x172: {  	s31 =	rddreg [dreg:$0xc];
	[sflag:s3] =	ssyncadd.s32 $0xFFFFC000  }
0x173: {  	[hbm4b:s31+s2] =	stream.linear.scatter [tilespmem:s4], [sflag:$0x2], $0x1000, $0x38;
	[tilespmem:$0xD800] =	vst v63  }
0x174: {  	_ =	swait.ge [sflag:s3], $0x1000  }
0x175: {  	[sflag:s3] =	ssyncset.done $0x0  }
0x176: {  	[sflag:s3] =	ssyncadd.s32 $0xFFFFF000  }
0x177: {  	_ =	sfence.sel $0x180000  }
0x178: {  	[bflag:$0x0] =	sbarrier.arrive $0xFFFF  }
0x179: {  	_ =	strace $0x90000047  }
0x17a: {  	[bflag:$0x2] =	sbarrier.arrive $0xFFFF  }
0x17b: {  	p0 =	sne.s32 s16, $0x0;
	s0 =	rddreg [dreg:$0x4]  }
0x17c: {  	s0 =	sadd.s32 @!p0 $0x100000, s0  }
0x17d: {  	[sflag:s0] =	ssyncadd.tile.s32 @!p0 $0x1;
	_ =	shalt  }
.LBB2_1:
.Ltmp3:
0x17e: {  	(pc) =	sbr.rel .LBB2_6-.Ltmp3, $4  }
0x17f: {  	s17 =	simm.s32 $0x780;
	s31 =	simm.s32 $0xB800;
	s30 =	simm.s32 $0x580  }
0x180: {  	s29 =	simm.s32 $0x7800;
	s28 =	simm.s32 $0x380;
	s26 =	simm.s32 $0x3800  }
0x181: {  	s25 =	simm.s32 $0x180;
	s24 =	simm.s32 $0xD000;
	s23 =	simm.s32 $0x700  }
0x182: {  	s22 =	simm.s32 $0xA800;
	s21 =	simm.s32 $0x500;
	s20 =	simm.s32 $0x6800  }
.LBB2_3:
.Ltmp4:
0x183: {  	s17 =	simm.s32 $0x780;
	(pc) =	sbr.rel .LBB2_6-.Ltmp4, $4  }
0x184: {  	s31 =	simm.s32 $0xB800;
	s30 =	simm.s32 $0x580;
	s29 =	simm.s32 $0x7800  }
0x185: {  	s28 =	simm.s32 $0x380;
	s26 =	simm.s32 $0x3800;
	s25 =	simm.s32 $0x180  }
0x186: {  	s24 =	simm.s32 $0xD000;
	s23 =	simm.s32 $0x700;
	s22 =	simm.s32 $0xA800  }
0x187: {  	s21 =	simm.s32 $0x500;
	s20 =	simm.s32 $0x6800;
	s16 =	stileid.u32  }
.Lfunc_end2:
_tile_overlayer_lowered:
.L_overlay_start_2:
0x188: {  	(tag) =	ssettag $0x2  }
0x189: {  	s0 =	rddreg [dreg:$0x0];
	s2 =	stileid.u32  }
0x18a: {  	s1 =	rddreg [dreg:$0x1];
	p0 =	sne.s32 s2, $0x0  }
0x18b: {  	s3 =	rddreg [dreg:$0x2];
	[bflag:$0x3] =	sbarrier.arrive $0xFFFF;
	s2 =	simm.s32 @!p0 $0x1C02  }
0x18c: {  	[timem:s3], [sflag:s2] =	dma.local @!p0 [hbm:s0], s1  }
0x18d: {  	s0 =	simm.s32 @!p0 $0x2  }
0x18e: {  	_ =	swait.ge @!p0 [sflag:s0], s1  }
0x18f: {  	s1 =	ssub.s32 @!p0 $0x0, s1;
	[sflag:s0] =	ssyncset.done @!p0 $0x0  }
0x190: {  	[sflag:s0] =	ssyncadd.s32 @!p0 s1  }
0x191: {  	[bflag:$0x3] =	sbarrier.arrive $0xFFFF  }
0x192: {  	_ =	shalt  }

</sc_bundles>
